<compile_context>
chip_gen: v7x
topology: tpu7x:2x2x1
jax: 0.10.2.dev20260603
libtpu: 0.0.44.dev20260713+nightly
codegen_flags: <defaults>
</compile_context>

<pallas_src>
import jax
import jax.numpy as jnp
from jax import lax
from jax.experimental import pallas as pl
from jax.experimental.pallas import tpu as pltpu
from jax.experimental.pallas import tpu_sc as plsc

NC = 2
NS = 16
NW = NC * NS
CH = 80
NPAD = 10240


def _sc_mesh():
    return plsc.VectorSubcoreMesh(core_axis_name="c", subcore_axis_name="s")


def _deg_sc(col, zcol):
    (E,) = col.shape
    EW = E // NW
    nch = EW // CH
    rpt = NPAD // NS

    def body(col_hbm, z_hbm, out_hbm, cidx, ones_v, acc):
        c = lax.axis_index("c")
        s = lax.axis_index("s")
        base = (c * NS + s) * EW
        for k in range(CH // 16):
            ones_v[pl.ds(k * 16, 16)] = jnp.ones((16,), jnp.float32)
        pltpu.sync_copy(z_hbm.at[pl.ds(s * rpt, rpt)],
                        acc.at[pl.ds(s * rpt, rpt)])
        plsc.subcore_barrier()

        def step(i, carry):
            pltpu.sync_copy(col_hbm.at[pl.ds(base + i * CH, CH)], cidx)
            pltpu.sync_copy(ones_v, acc.at[cidx], add=True)
            return carry

        lax.fori_loop(0, nch, step, 0)
        plsc.subcore_barrier()
        pltpu.sync_copy(acc.at[pl.ds(s * rpt, rpt)],
                        out_hbm.at[c, pl.ds(s * rpt, rpt)])

    return pl.kernel(
        body,
        out_type=jax.ShapeDtypeStruct((NC, NPAD), jnp.float32),
        mesh=_sc_mesh(),
        scratch_types=[
            pltpu.VMEM((CH,), jnp.int32),
            pltpu.VMEM((CH,), jnp.float32),
            pltpu.VMEM_SHARED((NPAD,), jnp.float32),
        ],
    )(col, zcol)


def _scatter_sc(g, row, col, z2):
    N, D = g.shape
    (E,) = row.shape
    EW = E // NW
    nch = EW // CH
    rpt = NPAD // NS

    def body(g_hbm, row_hbm, col_hbm, z_hbm, out_hbm, ridx, cidx, rows, acc, sem):
        c = lax.axis_index("c")
        s = lax.axis_index("s")
        base = (c * NS + s) * EW
        pltpu.sync_copy(z_hbm.at[pl.ds(s * rpt, rpt)],
                        acc.at[pl.ds(s * rpt, rpt)])
        plsc.subcore_barrier()

        def step(i, carry):
            pltpu.sync_copy(row_hbm.at[pl.ds(base + i * CH, CH)], ridx)
            pltpu.sync_copy(col_hbm.at[pl.ds(base + i * CH, CH)], cidx)
            pltpu.async_copy(g_hbm.at[ridx], rows, sem).wait()
            pltpu.sync_copy(rows, acc.at[cidx], add=True)
            return carry

        lax.fori_loop(0, nch, step, 0)
        plsc.subcore_barrier()
        pltpu.sync_copy(acc.at[pl.ds(s * rpt, rpt)],
                        out_hbm.at[c, pl.ds(s * rpt, rpt)])

    return pl.kernel(
        body,
        out_type=jax.ShapeDtypeStruct((NC, NPAD, D), jnp.float32),
        mesh=_sc_mesh(),
        scratch_types=[
            pltpu.VMEM((CH,), jnp.int32),
            pltpu.VMEM((CH,), jnp.int32),
            pltpu.VMEM((CH, D), jnp.float32),
            pltpu.VMEM_SHARED((NPAD, D), jnp.float32),
            pltpu.SemaphoreType.DMA,
        ],
        compiler_params=pltpu.CompilerParams(use_tc_tiling_on_sc=False),
    )(g, row, col, z2)


def _tc1(x, W1, dega, degb):
    N, IN = x.shape
    H = W1.shape[1]
    R = 2000
    grid = N // R

    def body(x_ref, w_ref, da_ref, db_ref, h_ref, g_ref, dinv_ref):
        deg = da_ref[...] + db_ref[...] + 1.0
        dinv = lax.rsqrt(deg)
        h = jnp.dot(x_ref[...], w_ref[...], preferred_element_type=jnp.float32)
        h_ref[...] = h
        g_ref[...] = h * dinv
        dinv_ref[...] = dinv

    return pl.pallas_call(
        body,
        grid=(grid,),
        in_specs=[
            pl.BlockSpec((R, IN), lambda i: (i, 0)),
            pl.BlockSpec((IN, H), lambda i: (0, 0)),
            pl.BlockSpec((R, 1), lambda i: (i, 0)),
            pl.BlockSpec((R, 1), lambda i: (i, 0)),
        ],
        out_specs=[
            pl.BlockSpec((R, H), lambda i: (i, 0)),
            pl.BlockSpec((R, H), lambda i: (i, 0)),
            pl.BlockSpec((R, 1), lambda i: (i, 0)),
        ],
        out_shape=[
            jax.ShapeDtypeStruct((N, H), jnp.float32),
            jax.ShapeDtypeStruct((N, H), jnp.float32),
            jax.ShapeDtypeStruct((N, 1), jnp.float32),
        ],
    )(x, W1, dega, degb)


def _tc2(s0p, h0, dinv, b1, W2):
    N, H = h0.shape
    O = W2.shape[1]
    R = 2000
    grid = N // R

    def body(sp_ref, h0_ref, dinv_ref, b1_ref, w_ref, y_ref, g_ref):
        dinv = dinv_ref[...]
        t = ((sp_ref[0] + sp_ref[1]) * dinv
             + h0_ref[...] * (dinv * dinv) + b1_ref[...])
        h1 = jnp.maximum(t, 0.0)
        y = jnp.dot(h1, w_ref[...], preferred_element_type=jnp.float32)
        y_ref[...] = y
        g_ref[...] = y * dinv

    return pl.pallas_call(
        body,
        grid=(grid,),
        in_specs=[
            pl.BlockSpec((NC, R, H), lambda i: (0, i, 0)),
            pl.BlockSpec((R, H), lambda i: (i, 0)),
            pl.BlockSpec((R, 1), lambda i: (i, 0)),
            pl.BlockSpec((H,), lambda i: (0,)),
            pl.BlockSpec((H, O), lambda i: (0, 0)),
        ],
        out_specs=[
            pl.BlockSpec((R, O), lambda i: (i, 0)),
            pl.BlockSpec((R, O), lambda i: (i, 0)),
        ],
        out_shape=[
            jax.ShapeDtypeStruct((N, O), jnp.float32),
            jax.ShapeDtypeStruct((N, O), jnp.float32),
        ],
    )(s0p, h0, dinv, b1, W2)


def _tc3(s1p, y1, dinv, b2):
    N, O = y1.shape
    R = 2000
    grid = N // R

    def body(sp_ref, y_ref, dinv_ref, b2_ref, o_ref):
        dinv = dinv_ref[...]
        o_ref[...] = ((sp_ref[0] + sp_ref[1]) * dinv
                      + y_ref[...] * (dinv * dinv) + b2_ref[...])

    return pl.pallas_call(
        body,
        grid=(grid,),
        in_specs=[
            pl.BlockSpec((NC, R, O), lambda i: (0, i, 0)),
            pl.BlockSpec((R, O), lambda i: (i, 0)),
            pl.BlockSpec((R, 1), lambda i: (i, 0)),
            pl.BlockSpec((O,), lambda i: (0,)),
        ],
        out_specs=pl.BlockSpec((R, O), lambda i: (i, 0)),
        out_shape=jax.ShapeDtypeStruct((N, O), jnp.float32),
    )(s1p, y1, dinv, b2)


def kernel(x, edge_index, W1, b1, W2, b2):
    row = edge_index[0].astype(jnp.int32)
    col = edge_index[1].astype(jnp.int32)
    H = W1.shape[1]
    zcol = jnp.zeros((NPAD,), jnp.float32)
    z2 = jnp.zeros((NPAD, H), jnp.float32)

    degp = _deg_sc(col, zcol)
    dega = degp[0].reshape(NPAD, 1)
    degb = degp[1].reshape(NPAD, 1)
    h0, g0, dinv = _tc1(x, W1, dega, degb)
    s0p = _scatter_sc(g0, row, col, z2)
    y1, g1 = _tc2(s0p, h0, dinv, b1, W2)
    s1p = _scatter_sc(g1, row, col, z2)
    out = _tc3(s1p, y1, dinv, b2)
    return out

# --- scband reference (transcript-rebuilt; emitter-appended) ---
"""Pipeline reference for scband-gcnnet3-15350213116648 (READ-ONLY COPY).

The authoritative reference and input builder live on the scoring server;
editing this copy changes nothing except your own understanding.
"""

import jax, jax.numpy as jnp
import numpy as np

N_NODES = 10000
N_EDGES = 320000
IN_DIM = 128
HID_DIM = 64
OUT_DIM = 64


def gcn_conv(x, edge_index, W, b, num_nodes):
    # PyG GCNConv: linear transform, add self-loops, symmetric normalization, scatter-add
    x = x @ W
    row = edge_index[0]
    col = edge_index[1]
    loop = jnp.arange(num_nodes, dtype=edge_index.dtype)
    row = jnp.concatenate([row, loop])
    col = jnp.concatenate([col, loop])
    ones = jnp.ones(row.shape[0], dtype=x.dtype)
    deg = jax.ops.segment_sum(ones, col, num_segments=num_nodes)
    deg_inv_sqrt = jnp.where(deg > 0, jax.lax.rsqrt(jnp.maximum(deg, 1e-12)), 0.0)
    norm = deg_inv_sqrt[row] * deg_inv_sqrt[col]
    msg = x[row] * norm[:, None]
    out = jax.ops.segment_sum(msg, col, num_segments=num_nodes)
    return out + b


def setup_inputs(seed: int = 0) -> dict:
    key = jax.random.key(seed)
    k1, k2, k3, k4, k5, k6 = jax.random.split(key, 6)
    x = jax.random.normal(k1, (N_NODES, IN_DIM), dtype=jnp.float32)
    edge_index = jax.random.randint(k2, (2, N_EDGES), 0, N_NODES, dtype=jnp.int64)
    s1 = 1.0 / np.sqrt(IN_DIM)
    s2 = 1.0 / np.sqrt(HID_DIM)
    W1 = jax.random.uniform(k3, (IN_DIM, HID_DIM), dtype=jnp.float32, minval=-s1, maxval=s1)
    b1 = jax.random.uniform(k4, (HID_DIM,), dtype=jnp.float32, minval=-s1, maxval=s1)
    W2 = jax.random.uniform(k5, (HID_DIM, OUT_DIM), dtype=jnp.float32, minval=-s2, maxval=s2)
    b2 = jax.random.uniform(k6, (OUT_DIM,), dtype=jnp.float32, minval=-s2, maxval=s2)
    return {"x": x, "edge_index": edge_index, "W1": W1, "b1": b1, "W2": W2, "b2": b2}


def reference(x, edge_index, W1, b1, W2, b2):
    num_nodes = x.shape[0]
    h = gcn_conv(x, edge_index, W1, b1, num_nodes)
    h = jax.nn.relu(h)
    # dropout is identity in eval mode
    out = gcn_conv(h, edge_index, W2, b2, num_nodes)
    return out

if __name__ == "__main__":
    import jax
    _d = setup_inputs()
    print(jax.jit(kernel)(*tuple(_d.values())))

</pallas_src>

<mosaic_0001>
#map = affine_map<(d0, d1) -> (0, 0)>
#map1 = affine_map<(d0, d1) -> (0)>
#map2 = affine_map<(d0, d1) -> (0, 0, 0)>
module attributes {stable_mosaic.version = 14 : i64} {
  func.func @body(%arg0: i32, %arg1: i32, %arg2: memref<10000x64xf32, #tpu.memory_space<hbm>>, %arg3: memref<320000xi32, #tpu.memory_space<hbm>>, %arg4: memref<320000xi32, #tpu.memory_space<hbm>>, %arg5: memref<10240x64xf32, #tpu.memory_space<hbm>>, %arg6: memref<2x10240x64xf32, #tpu.memory_space<hbm>>, %arg7: memref<80xi32, #tpu.memory_space<vmem>>, %arg8: memref<80xi32, #tpu.memory_space<vmem>>, %arg9: memref<80x64xf32, #tpu.memory_space<vmem>>, %arg10: memref<10240x64xf32, #tpu.memory_space<vmem_shared>>, %arg11: memref<!tpu.dma_semaphore, #tpu.memory_space<semaphore_mem>>) attributes {dimension_semantics = [#tpu.dimension_semantics<core_parallel>, #tpu.dimension_semantics<subcore_parallel>], iteration_bounds = array<i64: 2, 16>, scalar_prefetch = 0 : i64, scratch_operands = 5 : i64, tpu.core_type = #tpu.core_type<sc_vector_subcore>, window_params = [{transform_indices = #map}, {transform_indices = #map1}, {transform_indices = #map1}, {transform_indices = #map}, {transform_indices = #map2}]} {
    %mul3A = arith.constant 16 : i32
    %mul3A_0 = arith.muli %arg0, %mul3A : i32
    %add3A = arith.addi %mul3A_0, %arg1 : i32
    %mul3A_1 = arith.constant 10000 : i32
    %mul3A_2 = arith.muli %add3A, %mul3A_1 : i32
    %mul3A_3 = arith.constant 640 : i32
    %mul3A_4 = arith.muli %arg1, %mul3A_3 : i32
    %mul3A_5 = arith.constant 640 : i32
    %mul3A_6 = arith.muli %arg1, %mul3A_5 : i32
    "tpu.region"() ({
      %run_scoped3A = tpu.sem_alloc : memref<!tpu.dma_semaphore, #tpu.memory_space<semaphore_mem>>
      %dma_start3A = arith.constant 0 : i32
      %dma_start3A_17 = tpu.memref_slice %arg10[%mul3A_6, %dma_start3A] : memref<10240x64xf32, #tpu.memory_space<vmem_shared>> -> memref<640x64xf32, #tpu.memory_space<vmem_shared>>
      %dma_start3A_18 = arith.constant 0 : i32
      %dma_start3A_19 = tpu.memref_slice %arg5[%mul3A_4, %dma_start3A_18] : memref<10240x64xf32, #tpu.memory_space<hbm>> -> memref<640x64xf32, #tpu.memory_space<hbm>>
      tpu.enqueue_dma source(%dma_start3A_19 : memref<640x64xf32, #tpu.memory_space<hbm>>) target(%dma_start3A_17 : memref<640x64xf32, #tpu.memory_space<vmem_shared>>) target_semaphore(%run_scoped3A : memref<!tpu.dma_semaphore, #tpu.memory_space<semaphore_mem>>)
      %dma_wait3A = arith.constant 0 : i32
      %dma_wait3A_20 = tpu.memref_slice %arg10[%mul3A_6, %dma_wait3A] : memref<10240x64xf32, #tpu.memory_space<vmem_shared>> -> memref<640x64xf32, #tpu.memory_space<vmem_shared>>
      %dma_wait3A_21 = arith.constant 0 : i32
      %dma_wait3A_22 = tpu.memref_slice %arg5[%mul3A_4, %dma_wait3A_21] : memref<10240x64xf32, #tpu.memory_space<hbm>> -> memref<640x64xf32, #tpu.memory_space<hbm>>
      tpu.wait_dma2 semaphore(%run_scoped3A : memref<!tpu.dma_semaphore, #tpu.memory_space<semaphore_mem>>) src(%dma_wait3A_22 : memref<640x64xf32, #tpu.memory_space<hbm>>) dst(%dma_wait3A_20 : memref<640x64xf32, #tpu.memory_space<vmem_shared>>)
      tpu.yield
    }) : () -> ()
    %barrier3A = arith.constant 0 : index
    tpu.barrier barrier_id(%barrier3A)
    %scan3A = arith.constant 0 : i32
    %scan3A_7 = arith.constant 0 : i32
    %scan3A_8 = arith.constant 125 : i32
    %scan3A_9 = arith.addi %scan3A_7, %scan3A_8 : i32
    %scan3A_10 = arith.constant 1 : i32
    scf.for %scan3A_17 = %scan3A_7 to %scan3A_9 step %scan3A_10  : i32 {
      %mul3A_18 = arith.constant 80 : i32
      %mul3A_19 = arith.muli %scan3A_17, %mul3A_18 : i32
      %add3A_20 = arith.addi %mul3A_2, %mul3A_19 : i32
      "tpu.region"() ({
        %run_scoped3A = tpu.sem_alloc : memref<!tpu.dma_semaphore, #tpu.memory_space<semaphore_mem>>
        %dma_start3A_28 = tpu.memref_slice %arg3[%add3A_20] : memref<320000xi32, #tpu.memory_space<hbm>> -> memref<80xi32, #tpu.memory_space<hbm>>
        %dma_start3A_29 = tpu.memref_slice %arg3[%add3A_20] : memref<320000xi32, #tpu.memory_space<hbm>> -> memref<80xi32, #tpu.memory_space<hbm>>
        tpu.enqueue_dma source(%dma_start3A_29 : memref<80xi32, #tpu.memory_space<hbm>>) target(%arg7 : memref<80xi32, #tpu.memory_space<vmem>>) target_semaphore(%run_scoped3A : memref<!tpu.dma_semaphore, #tpu.memory_space<semaphore_mem>>)
        %dma_wait3A_30 = tpu.memref_slice %arg3[%add3A_20] : memref<320000xi32, #tpu.memory_space<hbm>> -> memref<80xi32, #tpu.memory_space<hbm>>
        %dma_wait3A_31 = tpu.memref_slice %arg3[%add3A_20] : memref<320000xi32, #tpu.memory_space<hbm>> -> memref<80xi32, #tpu.memory_space<hbm>>
        tpu.wait_dma2 semaphore(%run_scoped3A : memref<!tpu.dma_semaphore, #tpu.memory_space<semaphore_mem>>) src(%dma_wait3A_31 : memref<80xi32, #tpu.memory_space<hbm>>) dst(%arg7 : memref<80xi32, #tpu.memory_space<vmem>>)
        tpu.yield
      }) : () -> ()
      %mul3A_21 = arith.constant 80 : i32
      %mul3A_22 = arith.muli %scan3A_17, %mul3A_21 : i32
      %add3A_23 = arith.addi %mul3A_2, %mul3A_22 : i32
      "tpu.region"() ({
        %run_scoped3A = tpu.sem_alloc : memref<!tpu.dma_semaphore, #tpu.memory_space<semaphore_mem>>
        %dma_start3A_28 = tpu.memref_slice %arg4[%add3A_23] : memref<320000xi32, #tpu.memory_space<hbm>> -> memref<80xi32, #tpu.memory_space<hbm>>
        %dma_start3A_29 = tpu.memref_slice %arg4[%add3A_23] : memref<320000xi32, #tpu.memory_space<hbm>> -> memref<80xi32, #tpu.memory_space<hbm>>
        tpu.enqueue_dma source(%dma_start3A_29 : memref<80xi32, #tpu.memory_space<hbm>>) target(%arg8 : memref<80xi32, #tpu.memory_space<vmem>>) target_semaphore(%run_scoped3A : memref<!tpu.dma_semaphore, #tpu.memory_space<semaphore_mem>>)
        %dma_wait3A_30 = tpu.memref_slice %arg4[%add3A_23] : memref<320000xi32, #tpu.memory_space<hbm>> -> memref<80xi32, #tpu.memory_space<hbm>>
        %dma_wait3A_31 = tpu.memref_slice %arg4[%add3A_23] : memref<320000xi32, #tpu.memory_space<hbm>> -> memref<80xi32, #tpu.memory_space<hbm>>
        tpu.wait_dma2 semaphore(%run_scoped3A : memref<!tpu.dma_semaphore, #tpu.memory_space<semaphore_mem>>) src(%dma_wait3A_31 : memref<80xi32, #tpu.memory_space<hbm>>) dst(%arg8 : memref<80xi32, #tpu.memory_space<vmem>>)
        tpu.yield
      }) : () -> ()
      %dma_start3A = arith.constant 0 : i32
      %dma_start3A_24 = arith.constant 0 : i32
      %dma_start3A_25 = tpu.memref_slice %arg2[%dma_start3A, %dma_start3A_24] : memref<10000x64xf32, #tpu.memory_space<hbm>> -> memref<10000x64xf32, #tpu.memory_space<hbm>>
      tpu.enqueue_indirect_dma source(%dma_start3A_25 : memref<10000x64xf32, #tpu.memory_space<hbm>>) target(%arg9 : memref<80x64xf32, #tpu.memory_space<vmem>>) offsets(%arg7 : memref<80xi32, #tpu.memory_space<vmem>>) semaphore(%arg11 : memref<!tpu.dma_semaphore, #tpu.memory_space<semaphore_mem>>)
      %dma_wait3A = arith.constant 0 : i32
      %dma_wait3A_26 = arith.constant 0 : i32
      %dma_wait3A_27 = tpu.memref_slice %arg2[%dma_wait3A, %dma_wait3A_26] : memref<10000x64xf32, #tpu.memory_space<hbm>> -> memref<10000x64xf32, #tpu.memory_space<hbm>>
      tpu.wait_indirect_dma semaphore(%arg11 : memref<!tpu.dma_semaphore, #tpu.memory_space<semaphore_mem>>) src(%dma_wait3A_27 : memref<10000x64xf32, #tpu.memory_space<hbm>>) dst(%arg9 : memref<80x64xf32, #tpu.memory_space<vmem>>)
      "tpu.region"() ({
        %run_scoped3A = tpu.sem_alloc : memref<!tpu.dma_semaphore, #tpu.memory_space<semaphore_mem>>
        %dma_start3A_28 = arith.constant 0 : i32
        %dma_start3A_29 = arith.constant 0 : i32
        %dma_start3A_30 = tpu.memref_slice %arg10[%dma_start3A_28, %dma_start3A_29] : memref<10240x64xf32, #tpu.memory_space<vmem_shared>> -> memref<10240x64xf32, #tpu.memory_space<vmem_shared>>
        tpu.enqueue_indirect_dma source(%arg9 : memref<80x64xf32, #tpu.memory_space<vmem>>) target(%dma_start3A_30 : memref<10240x64xf32, #tpu.memory_space<vmem_shared>>) offsets(%arg8 : memref<80xi32, #tpu.memory_space<vmem>>) semaphore(%run_scoped3A : memref<!tpu.dma_semaphore, #tpu.memory_space<semaphore_mem>>) {add = true}
        %dma_wait3A_31 = arith.constant 0 : i32
        %dma_wait3A_32 = arith.constant 0 : i32
        %dma_wait3A_33 = tpu.memref_slice %arg10[%dma_wait3A_31, %dma_wait3A_32] : memref<10240x64xf32, #tpu.memory_space<vmem_shared>> -> memref<10240x64xf32, #tpu.memory_space<vmem_shared>>
        tpu.wait_indirect_dma semaphore(%run_scoped3A : memref<!tpu.dma_semaphore, #tpu.memory_space<semaphore_mem>>) src(%arg9 : memref<80x64xf32, #tpu.memory_space<vmem>>) dst(%dma_wait3A_33 : memref<10240x64xf32, #tpu.memory_space<vmem_shared>>)
        tpu.yield
      }) : () -> ()
    }
    %scan3A_11 = arith.constant 125 : i32
    %barrier3A_12 = arith.constant 0 : index
    tpu.barrier barrier_id(%barrier3A_12)
    %mul3A_13 = arith.constant 640 : i32
    %mul3A_14 = arith.muli %arg1, %mul3A_13 : i32
    %mul3A_15 = arith.constant 640 : i32
    %mul3A_16 = arith.muli %arg1, %mul3A_15 : i32
    "tpu.region"() ({
      %run_scoped3A = tpu.sem_alloc : memref<!tpu.dma_semaphore, #tpu.memory_space<semaphore_mem>>
      %dma_start3A = arith.constant 0 : i32
      %dma_start3A_17 = tpu.memref_slice %arg6[%arg0, %mul3A_16, %dma_start3A] : memref<2x10240x64xf32, #tpu.memory_space<hbm>> -> memref<1x640x64xf32, #tpu.memory_space<hbm>>
      %dma_start3A_18 = tpu.memref_squeeze %dma_start3A_17 : memref<1x640x64xf32, #tpu.memory_space<hbm>> -> memref<640x64xf32, #tpu.memory_space<hbm>>
      %dma_start3A_19 = arith.constant 0 : i32
      %dma_start3A_20 = tpu.memref_slice %arg10[%mul3A_14, %dma_start3A_19] : memref<10240x64xf32, #tpu.memory_space<vmem_shared>> -> memref<640x64xf32, #tpu.memory_space<vmem_shared>>
      tpu.enqueue_dma source(%dma_start3A_20 : memref<640x64xf32, #tpu.memory_space<vmem_shared>>) target(%dma_start3A_18 : memref<640x64xf32, #tpu.memory_space<hbm>>) target_semaphore(%run_scoped3A : memref<!tpu.dma_semaphore, #tpu.memory_space<semaphore_mem>>)
      %dma_wait3A = arith.constant 0 : i32
      %dma_wait3A_21 = tpu.memref_slice %arg6[%arg0, %mul3A_16, %dma_wait3A] : memref<2x10240x64xf32, #tpu.memory_space<hbm>> -> memref<1x640x64xf32, #tpu.memory_space<hbm>>
      %dma_wait3A_22 = tpu.memref_squeeze %dma_wait3A_21 : memref<1x640x64xf32, #tpu.memory_space<hbm>> -> memref<640x64xf32, #tpu.memory_space<hbm>>
      %dma_wait3A_23 = arith.constant 0 : i32
      %dma_wait3A_24 = tpu.memref_slice %arg10[%mul3A_14, %dma_wait3A_23] : memref<10240x64xf32, #tpu.memory_space<vmem_shared>> -> memref<640x64xf32, #tpu.memory_space<vmem_shared>>
      tpu.wait_dma2 semaphore(%run_scoped3A : memref<!tpu.dma_semaphore, #tpu.memory_space<semaphore_mem>>) src(%dma_wait3A_24 : memref<640x64xf32, #tpu.memory_space<vmem_shared>>) dst(%dma_wait3A_22 : memref<640x64xf32, #tpu.memory_space<hbm>>)
      tpu.yield
    }) : () -> ()
    return
  }
}

#map = affine_map<(d0, d1) -> (0, 0)>
#map1 = affine_map<(d0, d1) -> (0)>
#map2 = affine_map<(d0, d1) -> (0, 0, 0)>
module attributes {stable_mosaic.version = 14 : i64} {
  func.func @body(%arg0: i32, %arg1: i32, %arg2: memref<10000x64xf32, #tpu.memory_space<hbm>>, %arg3: memref<320000xi32, #tpu.memory_space<hbm>>, %arg4: memref<320000xi32, #tpu.memory_space<hbm>>, %arg5: memref<10240x64xf32, #tpu.memory_space<hbm>>, %arg6: memref<2x10240x64xf32, #tpu.memory_space<hbm>>, %arg7: memref<80xi32, #tpu.memory_space<vmem>>, %arg8: memref<80xi32, #tpu.memory_space<vmem>>, %arg9: memref<80x64xf32, #tpu.memory_space<vmem>>, %arg10: memref<10240x64xf32, #tpu.memory_space<vmem_shared>>, %arg11: memref<!tpu.dma_semaphore, #tpu.memory_space<semaphore_mem>>) attributes {dimension_semantics = [#tpu.dimension_semantics<core_parallel>, #tpu.dimension_semantics<subcore_parallel>], iteration_bounds = array<i64: 2, 16>, scalar_prefetch = 0 : i64, scratch_operands = 5 : i64, tpu.core_type = #tpu.core_type<sc_vector_subcore>, window_params = [{transform_indices = #map}, {transform_indices = #map1}, {transform_indices = #map1}, {transform_indices = #map}, {transform_indices = #map2}]} {
    %mul3A = arith.constant 16 : i32
    %mul3A_0 = arith.muli %arg0, %mul3A : i32
    %add3A = arith.addi %mul3A_0, %arg1 : i32
    %mul3A_1 = arith.constant 10000 : i32
    %mul3A_2 = arith.muli %add3A, %mul3A_1 : i32
    %mul3A_3 = arith.constant 640 : i32
    %mul3A_4 = arith.muli %arg1, %mul3A_3 : i32
    %mul3A_5 = arith.constant 640 : i32
    %mul3A_6 = arith.muli %arg1, %mul3A_5 : i32
    "tpu.region"() ({
      %run_scoped3A = tpu.sem_alloc : memref<!tpu.dma_semaphore, #tpu.memory_space<semaphore_mem>>
      %dma_start3A = arith.constant 0 : i32
      %dma_start3A_17 = tpu.memref_slice %arg10[%mul3A_6, %dma_start3A] : memref<10240x64xf32, #tpu.memory_space<vmem_shared>> -> memref<640x64xf32, #tpu.memory_space<vmem_shared>>
      %dma_start3A_18 = arith.constant 0 : i32
      %dma_start3A_19 = tpu.memref_slice %arg5[%mul3A_4, %dma_start3A_18] : memref<10240x64xf32, #tpu.memory_space<hbm>> -> memref<640x64xf32, #tpu.memory_space<hbm>>
      tpu.enqueue_dma source(%dma_start3A_19 : memref<640x64xf32, #tpu.memory_space<hbm>>) target(%dma_start3A_17 : memref<640x64xf32, #tpu.memory_space<vmem_shared>>) target_semaphore(%run_scoped3A : memref<!tpu.dma_semaphore, #tpu.memory_space<semaphore_mem>>)
      %dma_wait3A = arith.constant 0 : i32
      %dma_wait3A_20 = tpu.memref_slice %arg10[%mul3A_6, %dma_wait3A] : memref<10240x64xf32, #tpu.memory_space<vmem_shared>> -> memref<640x64xf32, #tpu.memory_space<vmem_shared>>
      %dma_wait3A_21 = arith.constant 0 : i32
      %dma_wait3A_22 = tpu.memref_slice %arg5[%mul3A_4, %dma_wait3A_21] : memref<10240x64xf32, #tpu.memory_space<hbm>> -> memref<640x64xf32, #tpu.memory_space<hbm>>
      tpu.wait_dma2 semaphore(%run_scoped3A : memref<!tpu.dma_semaphore, #tpu.memory_space<semaphore_mem>>) src(%dma_wait3A_22 : memref<640x64xf32, #tpu.memory_space<hbm>>) dst(%dma_wait3A_20 : memref<640x64xf32, #tpu.memory_space<vmem_shared>>)
      tpu.yield
    }) : () -> ()
    %barrier3A = arith.constant 0 : index
    tpu.barrier barrier_id(%barrier3A)
    %scan3A = arith.constant 0 : i32
    %scan3A_7 = arith.constant 0 : i32
    %scan3A_8 = arith.constant 125 : i32
    %scan3A_9 = arith.addi %scan3A_7, %scan3A_8 : i32
    %scan3A_10 = arith.constant 1 : i32
    scf.for %scan3A_17 = %scan3A_7 to %scan3A_9 step %scan3A_10  : i32 {
      %mul3A_18 = arith.constant 80 : i32
      %mul3A_19 = arith.muli %scan3A_17, %mul3A_18 : i32
      %add3A_20 = arith.addi %mul3A_2, %mul3A_19 : i32
      "tpu.region"() ({
        %run_scoped3A = tpu.sem_alloc : memref<!tpu.dma_semaphore, #tpu.memory_space<semaphore_mem>>
        %dma_start3A_28 = tpu.memref_slice %arg3[%add3A_20] : memref<320000xi32, #tpu.memory_space<hbm>> -> memref<80xi32, #tpu.memory_space<hbm>>
        %dma_start3A_29 = tpu.memref_slice %arg3[%add3A_20] : memref<320000xi32, #tpu.memory_space<hbm>> -> memref<80xi32, #tpu.memory_space<hbm>>
        tpu.enqueue_dma source(%dma_start3A_29 : memref<80xi32, #tpu.memory_space<hbm>>) target(%arg7 : memref<80xi32, #tpu.memory_space<vmem>>) target_semaphore(%run_scoped3A : memref<!tpu.dma_semaphore, #tpu.memory_space<semaphore_mem>>)
        %dma_wait3A_30 = tpu.memref_slice %arg3[%add3A_20] : memref<320000xi32, #tpu.memory_space<hbm>> -> memref<80xi32, #tpu.memory_space<hbm>>
        %dma_wait3A_31 = tpu.memref_slice %arg3[%add3A_20] : memref<320000xi32, #tpu.memory_space<hbm>> -> memref<80xi32, #tpu.memory_space<hbm>>
        tpu.wait_dma2 semaphore(%run_scoped3A : memref<!tpu.dma_semaphore, #tpu.memory_space<semaphore_mem>>) src(%dma_wait3A_31 : memref<80xi32, #tpu.memory_space<hbm>>) dst(%arg7 : memref<80xi32, #tpu.memory_space<vmem>>)
        tpu.yield
      }) : () -> ()
      %mul3A_21 = arith.constant 80 : i32
      %mul3A_22 = arith.muli %scan3A_17, %mul3A_21 : i32
      %add3A_23 = arith.addi %mul3A_2, %mul3A_22 : i32
      "tpu.region"() ({
        %run_scoped3A = tpu.sem_alloc : memref<!tpu.dma_semaphore, #tpu.memory_space<semaphore_mem>>
        %dma_start3A_28 = tpu.memref_slice %arg4[%add3A_23] : memref<320000xi32, #tpu.memory_space<hbm>> -> memref<80xi32, #tpu.memory_space<hbm>>
        %dma_start3A_29 = tpu.memref_slice %arg4[%add3A_23] : memref<320000xi32, #tpu.memory_space<hbm>> -> memref<80xi32, #tpu.memory_space<hbm>>
        tpu.enqueue_dma source(%dma_start3A_29 : memref<80xi32, #tpu.memory_space<hbm>>) target(%arg8 : memref<80xi32, #tpu.memory_space<vmem>>) target_semaphore(%run_scoped3A : memref<!tpu.dma_semaphore, #tpu.memory_space<semaphore_mem>>)
        %dma_wait3A_30 = tpu.memref_slice %arg4[%add3A_23] : memref<320000xi32, #tpu.memory_space<hbm>> -> memref<80xi32, #tpu.memory_space<hbm>>
        %dma_wait3A_31 = tpu.memref_slice %arg4[%add3A_23] : memref<320000xi32, #tpu.memory_space<hbm>> -> memref<80xi32, #tpu.memory_space<hbm>>
        tpu.wait_dma2 semaphore(%run_scoped3A : memref<!tpu.dma_semaphore, #tpu.memory_space<semaphore_mem>>) src(%dma_wait3A_31 : memref<80xi32, #tpu.memory_space<hbm>>) dst(%arg8 : memref<80xi32, #tpu.memory_space<vmem>>)
        tpu.yield
      }) : () -> ()
      %dma_start3A = arith.constant 0 : i32
      %dma_start3A_24 = arith.constant 0 : i32
      %dma_start3A_25 = tpu.memref_slice %arg2[%dma_start3A, %dma_start3A_24] : memref<10000x64xf32, #tpu.memory_space<hbm>> -> memref<10000x64xf32, #tpu.memory_space<hbm>>
      tpu.enqueue_indirect_dma source(%dma_start3A_25 : memref<10000x64xf32, #tpu.memory_space<hbm>>) target(%arg9 : memref<80x64xf32, #tpu.memory_space<vmem>>) offsets(%arg7 : memref<80xi32, #tpu.memory_space<vmem>>) semaphore(%arg11 : memref<!tpu.dma_semaphore, #tpu.memory_space<semaphore_mem>>)
      %dma_wait3A = arith.constant 0 : i32
      %dma_wait3A_26 = arith.constant 0 : i32
      %dma_wait3A_27 = tpu.memref_slice %arg2[%dma_wait3A, %dma_wait3A_26] : memref<10000x64xf32, #tpu.memory_space<hbm>> -> memref<10000x64xf32, #tpu.memory_space<hbm>>
      tpu.wait_indirect_dma semaphore(%arg11 : memref<!tpu.dma_semaphore, #tpu.memory_space<semaphore_mem>>) src(%dma_wait3A_27 : memref<10000x64xf32, #tpu.memory_space<hbm>>) dst(%arg9 : memref<80x64xf32, #tpu.memory_space<vmem>>)
      "tpu.region"() ({
        %run_scoped3A = tpu.sem_alloc : memref<!tpu.dma_semaphore, #tpu.memory_space<semaphore_mem>>
        %dma_start3A_28 = arith.constant 0 : i32
        %dma_start3A_29 = arith.constant 0 : i32
        %dma_start3A_30 = tpu.memref_slice %arg10[%dma_start3A_28, %dma_start3A_29] : memref<10240x64xf32, #tpu.memory_space<vmem_shared>> -> memref<10240x64xf32, #tpu.memory_space<vmem_shared>>
        tpu.enqueue_indirect_dma source(%arg9 : memref<80x64xf32, #tpu.memory_space<vmem>>) target(%dma_start3A_30 : memref<10240x64xf32, #tpu.memory_space<vmem_shared>>) offsets(%arg8 : memref<80xi32, #tpu.memory_space<vmem>>) semaphore(%run_scoped3A : memref<!tpu.dma_semaphore, #tpu.memory_space<semaphore_mem>>) {add = true}
        %dma_wait3A_31 = arith.constant 0 : i32
        %dma_wait3A_32 = arith.constant 0 : i32
        %dma_wait3A_33 = tpu.memref_slice %arg10[%dma_wait3A_31, %dma_wait3A_32] : memref<10240x64xf32, #tpu.memory_space<vmem_shared>> -> memref<10240x64xf32, #tpu.memory_space<vmem_shared>>
        tpu.wait_indirect_dma semaphore(%run_scoped3A : memref<!tpu.dma_semaphore, #tpu.memory_space<semaphore_mem>>) src(%arg9 : memref<80x64xf32, #tpu.memory_space<vmem>>) dst(%dma_wait3A_33 : memref<10240x64xf32, #tpu.memory_space<vmem_shared>>)
        tpu.yield
      }) : () -> ()
    }
    %scan3A_11 = arith.constant 125 : i32
    %barrier3A_12 = arith.constant 0 : index
    tpu.barrier barrier_id(%barrier3A_12)
    %mul3A_13 = arith.constant 640 : i32
    %mul3A_14 = arith.muli %arg1, %mul3A_13 : i32
    %mul3A_15 = arith.constant 640 : i32
    %mul3A_16 = arith.muli %arg1, %mul3A_15 : i32
    "tpu.region"() ({
      %run_scoped3A = tpu.sem_alloc : memref<!tpu.dma_semaphore, #tpu.memory_space<semaphore_mem>>
      %dma_start3A = arith.constant 0 : i32
      %dma_start3A_17 = tpu.memref_slice %arg6[%arg0, %mul3A_16, %dma_start3A] : memref<2x10240x64xf32, #tpu.memory_space<hbm>> -> memref<1x640x64xf32, #tpu.memory_space<hbm>>
      %dma_start3A_18 = tpu.memref_squeeze %dma_start3A_17 : memref<1x640x64xf32, #tpu.memory_space<hbm>> -> memref<640x64xf32, #tpu.memory_space<hbm>>
      %dma_start3A_19 = arith.constant 0 : i32
      %dma_start3A_20 = tpu.memref_slice %arg10[%mul3A_14, %dma_start3A_19] : memref<10240x64xf32, #tpu.memory_space<vmem_shared>> -> memref<640x64xf32, #tpu.memory_space<vmem_shared>>
      tpu.enqueue_dma source(%dma_start3A_20 : memref<640x64xf32, #tpu.memory_space<vmem_shared>>) target(%dma_start3A_18 : memref<640x64xf32, #tpu.memory_space<hbm>>) target_semaphore(%run_scoped3A : memref<!tpu.dma_semaphore, #tpu.memory_space<semaphore_mem>>)
      %dma_wait3A = arith.constant 0 : i32
      %dma_wait3A_21 = tpu.memref_slice %arg6[%arg0, %mul3A_16, %dma_wait3A] : memref<2x10240x64xf32, #tpu.memory_space<hbm>> -> memref<1x640x64xf32, #tpu.memory_space<hbm>>
      %dma_wait3A_22 = tpu.memref_squeeze %dma_wait3A_21 : memref<1x640x64xf32, #tpu.memory_space<hbm>> -> memref<640x64xf32, #tpu.memory_space<hbm>>
      %dma_wait3A_23 = arith.constant 0 : i32
      %dma_wait3A_24 = tpu.memref_slice %arg10[%mul3A_14, %dma_wait3A_23] : memref<10240x64xf32, #tpu.memory_space<vmem_shared>> -> memref<640x64xf32, #tpu.memory_space<vmem_shared>>
      tpu.wait_dma2 semaphore(%run_scoped3A : memref<!tpu.dma_semaphore, #tpu.memory_space<semaphore_mem>>) src(%dma_wait3A_24 : memref<640x64xf32, #tpu.memory_space<vmem_shared>>) dst(%dma_wait3A_22 : memref<640x64xf32, #tpu.memory_space<hbm>>)
      tpu.yield
    }) : () -> ()
    return
  }
}

#map = affine_map<(d0, d1) -> (0)>
#map1 = affine_map<(d0, d1) -> (0, 0)>
module attributes {stable_mosaic.version = 14 : i64} {
  func.func @body(%arg0: i32, %arg1: i32, %arg2: memref<320000xi32, #tpu.memory_space<hbm>>, %arg3: memref<10240xf32, #tpu.memory_space<hbm>>, %arg4: memref<2x10240xf32, #tpu.memory_space<hbm>>, %arg5: memref<80xi32, #tpu.memory_space<vmem>>, %arg6: memref<80xf32, #tpu.memory_space<vmem>>, %arg7: memref<10240xf32, #tpu.memory_space<vmem_shared>>) attributes {dimension_semantics = [#tpu.dimension_semantics<core_parallel>, #tpu.dimension_semantics<subcore_parallel>], iteration_bounds = array<i64: 2, 16>, scalar_prefetch = 0 : i64, scratch_operands = 3 : i64, tpu.core_type = #tpu.core_type<sc_vector_subcore>, window_params = [{transform_indices = #map}, {transform_indices = #map}, {transform_indices = #map1}]} {
    %mul3A = arith.constant 16 : i32
    %mul3A_0 = arith.muli %arg0, %mul3A : i32
    %add3A = arith.addi %mul3A_0, %arg1 : i32
    %mul3A_1 = arith.constant 10000 : i32
    %mul3A_2 = arith.muli %add3A, %mul3A_1 : i32
    %broadcast_in_dim3A = arith.constant 1.000000e+00 : f32
    %broadcast_in_dim3A_3 = vector.broadcast %broadcast_in_dim3A : f32 to vector<16xf32>
    %swap3A = arith.constant 0 : index
    %swap3A_4 = tpu.vector_load %arg6[%swap3A] {strides = array<i32>} : memref<80xf32, #tpu.memory_space<vmem>>, vector<16xf32>,
    %swap3A_5 = vector.shape_cast %swap3A_4 : vector<16xf32> to vector<16xf32>
    %swap3A_6 = vector.shape_cast %broadcast_in_dim3A_3 : vector<16xf32> to vector<16xf32>
    tpu.vector_store %arg6[%swap3A], %swap3A_6 {strides = array<i32>} : memref<80xf32, #tpu.memory_space<vmem>>, vector<16xf32>,
    %broadcast_in_dim3A_7 = arith.constant 1.000000e+00 : f32
    %broadcast_in_dim3A_8 = vector.broadcast %broadcast_in_dim3A_7 : f32 to vector<16xf32>
    %swap3A_9 = arith.constant 16 : index
    %swap3A_10 = tpu.vector_load %arg6[%swap3A_9] {strides = array<i32>} : memref<80xf32, #tpu.memory_space<vmem>>, vector<16xf32>,
    %swap3A_11 = vector.shape_cast %swap3A_10 : vector<16xf32> to vector<16xf32>
    %swap3A_12 = vector.shape_cast %broadcast_in_dim3A_8 : vector<16xf32> to vector<16xf32>
    tpu.vector_store %arg6[%swap3A_9], %swap3A_12 {strides = array<i32>} : memref<80xf32, #tpu.memory_space<vmem>>, vector<16xf32>,
    %broadcast_in_dim3A_13 = arith.constant 1.000000e+00 : f32
    %broadcast_in_dim3A_14 = vector.broadcast %broadcast_in_dim3A_13 : f32 to vector<16xf32>
    %swap3A_15 = arith.constant 32 : index
    %swap3A_16 = tpu.vector_load %arg6[%swap3A_15] {strides = array<i32>} : memref<80xf32, #tpu.memory_space<vmem>>, vector<16xf32>,
    %swap3A_17 = vector.shape_cast %swap3A_16 : vector<16xf32> to vector<16xf32>
    %swap3A_18 = vector.shape_cast %broadcast_in_dim3A_14 : vector<16xf32> to vector<16xf32>
    tpu.vector_store %arg6[%swap3A_15], %swap3A_18 {strides = array<i32>} : memref<80xf32, #tpu.memory_space<vmem>>, vector<16xf32>,
    %broadcast_in_dim3A_19 = arith.constant 1.000000e+00 : f32
    %broadcast_in_dim3A_20 = vector.broadcast %broadcast_in_dim3A_19 : f32 to vector<16xf32>
    %swap3A_21 = arith.constant 48 : index
    %swap3A_22 = tpu.vector_load %arg6[%swap3A_21] {strides = array<i32>} : memref<80xf32, #tpu.memory_space<vmem>>, vector<16xf32>,
    %swap3A_23 = vector.shape_cast %swap3A_22 : vector<16xf32> to vector<16xf32>
    %swap3A_24 = vector.shape_cast %broadcast_in_dim3A_20 : vector<16xf32> to vector<16xf32>
    tpu.vector_store %arg6[%swap3A_21], %swap3A_24 {strides = array<i32>} : memref<80xf32, #tpu.memory_space<vmem>>, vector<16xf32>,
    %broadcast_in_dim3A_25 = arith.constant 1.000000e+00 : f32
    %broadcast_in_dim3A_26 = vector.broadcast %broadcast_in_dim3A_25 : f32 to vector<16xf32>
    %swap3A_27 = arith.constant 64 : index
    %swap3A_28 = tpu.vector_load %arg6[%swap3A_27] {strides = array<i32>} : memref<80xf32, #tpu.memory_space<vmem>>, vector<16xf32>,
    %swap3A_29 = vector.shape_cast %swap3A_28 : vector<16xf32> to vector<16xf32>
    %swap3A_30 = vector.shape_cast %broadcast_in_dim3A_26 : vector<16xf32> to vector<16xf32>
    tpu.vector_store %arg6[%swap3A_27], %swap3A_30 {strides = array<i32>} : memref<80xf32, #tpu.memory_space<vmem>>, vector<16xf32>,
    %mul3A_31 = arith.constant 640 : i32
    %mul3A_32 = arith.muli %arg1, %mul3A_31 : i32
    %mul3A_33 = arith.constant 640 : i32
    %mul3A_34 = arith.muli %arg1, %mul3A_33 : i32
    "tpu.region"() ({
      %run_scoped3A = tpu.sem_alloc : memref<!tpu.dma_semaphore, #tpu.memory_space<semaphore_mem>>
      %dma_start3A = tpu.memref_slice %arg7[%mul3A_34] : memref<10240xf32, #tpu.memory_space<vmem_shared>> -> memref<640xf32, #tpu.memory_space<vmem_shared>>
      %dma_start3A_45 = tpu.memref_slice %arg3[%mul3A_32] : memref<10240xf32, #tpu.memory_space<hbm>> -> memref<640xf32, #tpu.memory_space<hbm>>
      tpu.enqueue_dma source(%dma_start3A_45 : memref<640xf32, #tpu.memory_space<hbm>>) target(%dma_start3A : memref<640xf32, #tpu.memory_space<vmem_shared>>) target_semaphore(%run_scoped3A : memref<!tpu.dma_semaphore, #tpu.memory_space<semaphore_mem>>)
      %dma_wait3A = tpu.memref_slice %arg7[%mul3A_34] : memref<10240xf32, #tpu.memory_space<vmem_shared>> -> memref<640xf32, #tpu.memory_space<vmem_shared>>
      %dma_wait3A_46 = tpu.memref_slice %arg3[%mul3A_32] : memref<10240xf32, #tpu.memory_space<hbm>> -> memref<640xf32, #tpu.memory_space<hbm>>
      tpu.wait_dma2 semaphore(%run_scoped3A : memref<!tpu.dma_semaphore, #tpu.memory_space<semaphore_mem>>) src(%dma_wait3A_46 : memref<640xf32, #tpu.memory_space<hbm>>) dst(%dma_wait3A : memref<640xf32, #tpu.memory_space<vmem_shared>>)
      tpu.yield
    }) : () -> ()
    %barrier3A = arith.constant 0 : index
    tpu.barrier barrier_id(%barrier3A)
    %scan3A = arith.constant 0 : i32
    %scan3A_35 = arith.constant 0 : i32
    %scan3A_36 = arith.constant 125 : i32
    %scan3A_37 = arith.addi %scan3A_35, %scan3A_36 : i32
    %scan3A_38 = arith.constant 1 : i32
    scf.for %scan3A_45 = %scan3A_35 to %scan3A_37 step %scan3A_38  : i32 {
      %mul3A_46 = arith.constant 80 : i32
      %mul3A_47 = arith.muli %scan3A_45, %mul3A_46 : i32
      %add3A_48 = arith.addi %mul3A_2, %mul3A_47 : i32
      "tpu.region"() ({
        %run_scoped3A = tpu.sem_alloc : memref<!tpu.dma_semaphore, #tpu.memory_space<semaphore_mem>>
        %dma_start3A = tpu.memref_slice %arg2[%add3A_48] : memref<320000xi32, #tpu.memory_space<hbm>> -> memref<80xi32, #tpu.memory_space<hbm>>
        %dma_start3A_49 = tpu.memref_slice %arg2[%add3A_48] : memref<320000xi32, #tpu.memory_space<hbm>> -> memref<80xi32, #tpu.memory_space<hbm>>
        tpu.enqueue_dma source(%dma_start3A_49 : memref<80xi32, #tpu.memory_space<hbm>>) target(%arg5 : memref<80xi32, #tpu.memory_space<vmem>>) target_semaphore(%run_scoped3A : memref<!tpu.dma_semaphore, #tpu.memory_space<semaphore_mem>>)
        %dma_wait3A = tpu.memref_slice %arg2[%add3A_48] : memref<320000xi32, #tpu.memory_space<hbm>> -> memref<80xi32, #tpu.memory_space<hbm>>
        %dma_wait3A_50 = tpu.memref_slice %arg2[%add3A_48] : memref<320000xi32, #tpu.memory_space<hbm>> -> memref<80xi32, #tpu.memory_space<hbm>>
        tpu.wait_dma2 semaphore(%run_scoped3A : memref<!tpu.dma_semaphore, #tpu.memory_space<semaphore_mem>>) src(%dma_wait3A_50 : memref<80xi32, #tpu.memory_space<hbm>>) dst(%arg5 : memref<80xi32, #tpu.memory_space<vmem>>)
        tpu.yield
      }) : () -> ()
      "tpu.region"() ({
        %run_scoped3A = tpu.sem_alloc : memref<!tpu.dma_semaphore, #tpu.memory_space<semaphore_mem>>
        %dma_start3A = arith.constant 0 : i32
        %dma_start3A_49 = tpu.memref_slice %arg7[%dma_start3A] : memref<10240xf32, #tpu.memory_space<vmem_shared>> -> memref<10240xf32, #tpu.memory_space<vmem_shared>>
        tpu.enqueue_indirect_dma source(%arg6 : memref<80xf32, #tpu.memory_space<vmem>>) target(%dma_start3A_49 : memref<10240xf32, #tpu.memory_space<vmem_shared>>) offsets(%arg5 : memref<80xi32, #tpu.memory_space<vmem>>) semaphore(%run_scoped3A : memref<!tpu.dma_semaphore, #tpu.memory_space<semaphore_mem>>) {add = true}
        %dma_wait3A = arith.constant 0 : i32
        %dma_wait3A_50 = tpu.memref_slice %arg7[%dma_wait3A] : memref<10240xf32, #tpu.memory_space<vmem_shared>> -> memref<10240xf32, #tpu.memory_space<vmem_shared>>
        tpu.wait_indirect_dma semaphore(%run_scoped3A : memref<!tpu.dma_semaphore, #tpu.memory_space<semaphore_mem>>) src(%arg6 : memref<80xf32, #tpu.memory_space<vmem>>) dst(%dma_wait3A_50 : memref<10240xf32, #tpu.memory_space<vmem_shared>>)
        tpu.yield
      }) : () -> ()
    }
    %scan3A_39 = arith.constant 125 : i32
    %barrier3A_40 = arith.constant 0 : index
    tpu.barrier barrier_id(%barrier3A_40)
    %mul3A_41 = arith.constant 640 : i32
    %mul3A_42 = arith.muli %arg1, %mul3A_41 : i32
    %mul3A_43 = arith.constant 640 : i32
    %mul3A_44 = arith.muli %arg1, %mul3A_43 : i32
    "tpu.region"() ({
      %run_scoped3A = tpu.sem_alloc : memref<!tpu.dma_semaphore, #tpu.memory_space<semaphore_mem>>
      %dma_start3A = tpu.memref_slice %arg4[%arg0, %mul3A_44] : memref<2x10240xf32, #tpu.memory_space<hbm>> -> memref<1x640xf32, #tpu.memory_space<hbm>>
      %dma_start3A_45 = tpu.memref_squeeze %dma_start3A : memref<1x640xf32, #tpu.memory_space<hbm>> -> memref<640xf32, #tpu.memory_space<hbm>>
      %dma_start3A_46 = tpu.memref_slice %arg7[%mul3A_42] : memref<10240xf32, #tpu.memory_space<vmem_shared>> -> memref<640xf32, #tpu.memory_space<vmem_shared>>
      tpu.enqueue_dma source(%dma_start3A_46 : memref<640xf32, #tpu.memory_space<vmem_shared>>) target(%dma_start3A_45 : memref<640xf32, #tpu.memory_space<hbm>>) target_semaphore(%run_scoped3A : memref<!tpu.dma_semaphore, #tpu.memory_space<semaphore_mem>>)
      %dma_wait3A = tpu.memref_slice %arg4[%arg0, %mul3A_44] : memref<2x10240xf32, #tpu.memory_space<hbm>> -> memref<1x640xf32, #tpu.memory_space<hbm>>
      %dma_wait3A_47 = tpu.memref_squeeze %dma_wait3A : memref<1x640xf32, #tpu.memory_space<hbm>> -> memref<640xf32, #tpu.memory_space<hbm>>
      %dma_wait3A_48 = tpu.memref_slice %arg7[%mul3A_42] : memref<10240xf32, #tpu.memory_space<vmem_shared>> -> memref<640xf32, #tpu.memory_space<vmem_shared>>
      tpu.wait_dma2 semaphore(%run_scoped3A : memref<!tpu.dma_semaphore, #tpu.memory_space<semaphore_mem>>) src(%dma_wait3A_48 : memref<640xf32, #tpu.memory_space<vmem_shared>>) dst(%dma_wait3A_47 : memref<640xf32, #tpu.memory_space<hbm>>)
      tpu.yield
    }) : () -> ()
    return
  }
}

module attributes {stable_mosaic.version = 14 : i64} {
  func.func @body(%arg0: i32, %arg1: memref<2000x128xf32, #tpu.memory_space<vmem>>, %arg2: memref<128x64xf32, #tpu.memory_space<vmem>>, %arg3: memref<2000x1xf32, #tpu.memory_space<vmem>>, %arg4: memref<2000x1xf32, #tpu.memory_space<vmem>>, %arg5: memref<2000x64xf32, #tpu.memory_space<vmem>>, %arg6: memref<2000x64xf32, #tpu.memory_space<vmem>>, %arg7: memref<2000x1xf32, #tpu.memory_space<vmem>>) attributes {dimension_semantics = [#tpu.dimension_semantics<arbitrary>], iteration_bounds = array<i64: 5>, scalar_prefetch = 0 : i64, scratch_operands = 0 : i64, tpu.core_type = #tpu.core_type<tc>, window_params = [{transform_indices = @transform_0, window_bounds = array<i64: 2000, 128>}, {pipeline_mode = #tpu.pipeline_mode<synchronous>, transform_indices = @transform_1, window_bounds = array<i64: 128, 64>}, {transform_indices = @transform_2, window_bounds = array<i64: 2000, 1>}, {transform_indices = @transform_3, window_bounds = array<i64: 2000, 1>}, {transform_indices = @transform_4, window_bounds = array<i64: 2000, 64>}, {transform_indices = @transform_5, window_bounds = array<i64: 2000, 64>}, {transform_indices = @transform_6, window_bounds = array<i64: 2000, 1>}]} {
    %get3A = arith.constant 0 : index
    %get3A_0 = arith.constant 0 : index
    %get3A_1 = vector.load %arg3[%get3A, %get3A_0] : memref<2000x1xf32, #tpu.memory_space<vmem>>, vector<2000x1xf32>
    %get3A_2 = arith.constant 0 : index
    %get3A_3 = arith.constant 0 : index
    %get3A_4 = vector.load %arg4[%get3A_2, %get3A_3] : memref<2000x1xf32, #tpu.memory_space<vmem>>, vector<2000x1xf32>
    %add3A = arith.addf %get3A_1, %get3A_4 : vector<2000x1xf32>
    %add3A_5 = arith.constant 1.000000e+00 : f32
    %add3A_6 = vector.broadcast %add3A_5 : f32 to vector<2000x1xf32>
    %add3A_7 = arith.addf %add3A, %add3A_6 : vector<2000x1xf32>
    %rsqrt3A = math.rsqrt %add3A_7 : vector<2000x1xf32>
    %get3A_8 = arith.constant 0 : index
    %get3A_9 = arith.constant 0 : index
    %get3A_10 = vector.load %arg1[%get3A_8, %get3A_9] : memref<2000x128xf32, #tpu.memory_space<vmem>>, vector<2000x128xf32>
    %get3A_11 = arith.constant 0 : index
    %get3A_12 = arith.constant 0 : index
    %get3A_13 = vector.load %arg2[%get3A_11, %get3A_12] : memref<128x64xf32, #tpu.memory_space<vmem>>, vector<128x64xf32>
    %dot_general3A = arith.constant dense<0.000000e+00> : vector<2000x64xf32>
    %dot_general3A_14 = tpu.matmul %get3A_10, %get3A_13, %dot_general3A {dimension_numbers = #tpu.dot_dimension_numbers<[1], [0], [0], [1], [0, 0, 1, 1], [], []>, transpose_lhs_hint = false} : vector<2000x128xf32>, vector<128x64xf32>, vector<2000x64xf32> -> vector<2000x64xf32>
    %swap3A = arith.constant 0 : index
    %swap3A_15 = arith.constant 0 : index
    %swap3A_16 = vector.load %arg5[%swap3A, %swap3A_15] : memref<2000x64xf32, #tpu.memory_space<vmem>>, vector<2000x64xf32>
    tpu.vector_store %arg5[%swap3A, %swap3A_15], %dot_general3A_14 {strides = array<i32>} : memref<2000x64xf32, #tpu.memory_space<vmem>>, vector<2000x64xf32>,
    %mul3A = vector.broadcast %rsqrt3A : vector<2000x1xf32> to vector<2000x64xf32>
    %mul3A_17 = arith.mulf %dot_general3A_14, %mul3A : vector<2000x64xf32>
    %swap3A_18 = arith.constant 0 : index
    %swap3A_19 = arith.constant 0 : index
    %swap3A_20 = vector.load %arg6[%swap3A_18, %swap3A_19] : memref<2000x64xf32, #tpu.memory_space<vmem>>, vector<2000x64xf32>
    tpu.vector_store %arg6[%swap3A_18, %swap3A_19], %mul3A_17 {strides = array<i32>} : memref<2000x64xf32, #tpu.memory_space<vmem>>, vector<2000x64xf32>,
    %swap3A_21 = arith.constant 0 : index
    %swap3A_22 = arith.constant 0 : index
    %swap3A_23 = vector.load %arg7[%swap3A_21, %swap3A_22] : memref<2000x1xf32, #tpu.memory_space<vmem>>, vector<2000x1xf32>
    tpu.vector_store %arg7[%swap3A_21, %swap3A_22], %rsqrt3A {strides = array<i32>} : memref<2000x1xf32, #tpu.memory_space<vmem>>, vector<2000x1xf32>,
    return
  }
  func.func @transform_0(%arg0: i32) -> (i32, i32) {
    %c0_i32 = arith.constant 0 : i32
    %c0_i32_0 = arith.constant 0 : i32
    return %arg0, %c0_i32 : i32, i32
  }
  func.func @transform_1(%arg0: i32) -> (i32, i32) {
    %c0_i32 = arith.constant 0 : i32
    %c0_i32_0 = arith.constant 0 : i32
    %c0_i32_1 = arith.constant 0 : i32
    return %c0_i32, %c0_i32_0 : i32, i32
  }
  func.func @transform_2(%arg0: i32) -> (i32, i32) {
    %c0_i32 = arith.constant 0 : i32
    %c0_i32_0 = arith.constant 0 : i32
    return %arg0, %c0_i32 : i32, i32
  }
  func.func @transform_3(%arg0: i32) -> (i32, i32) {
    %c0_i32 = arith.constant 0 : i32
    %c0_i32_0 = arith.constant 0 : i32
    return %arg0, %c0_i32 : i32, i32
  }
  func.func @transform_4(%arg0: i32) -> (i32, i32) {
    %c0_i32 = arith.constant 0 : i32
    %c0_i32_0 = arith.constant 0 : i32
    return %arg0, %c0_i32 : i32, i32
  }
  func.func @transform_5(%arg0: i32) -> (i32, i32) {
    %c0_i32 = arith.constant 0 : i32
    %c0_i32_0 = arith.constant 0 : i32
    return %arg0, %c0_i32 : i32, i32
  }
  func.func @transform_6(%arg0: i32) -> (i32, i32) {
    %c0_i32 = arith.constant 0 : i32
    %c0_i32_0 = arith.constant 0 : i32
    return %arg0, %c0_i32 : i32, i32
  }
}

module attributes {stable_mosaic.version = 14 : i64} {
  func.func @body(%arg0: i32, %arg1: memref<2x2000x64xf32, #tpu.memory_space<vmem>>, %arg2: memref<2000x64xf32, #tpu.memory_space<vmem>>, %arg3: memref<2000x1xf32, #tpu.memory_space<vmem>>, %arg4: memref<64xf32, #tpu.memory_space<vmem>>, %arg5: memref<64x64xf32, #tpu.memory_space<vmem>>, %arg6: memref<2000x64xf32, #tpu.memory_space<vmem>>, %arg7: memref<2000x64xf32, #tpu.memory_space<vmem>>) attributes {dimension_semantics = [#tpu.dimension_semantics<arbitrary>], iteration_bounds = array<i64: 5>, scalar_prefetch = 0 : i64, scratch_operands = 0 : i64, tpu.core_type = #tpu.core_type<tc>, window_params = [{transform_indices = @transform_0, window_bounds = array<i64: 2, 2000, 64>}, {transform_indices = @transform_1, window_bounds = array<i64: 2000, 64>}, {transform_indices = @transform_2, window_bounds = array<i64: 2000, 1>}, {pipeline_mode = #tpu.pipeline_mode<synchronous>, transform_indices = @transform_3, window_bounds = array<i64: 64>}, {pipeline_mode = #tpu.pipeline_mode<synchronous>, transform_indices = @transform_4, window_bounds = array<i64: 64, 64>}, {transform_indices = @transform_5, window_bounds = array<i64: 2000, 64>}, {transform_indices = @transform_6, window_bounds = array<i64: 2000, 64>}]} {
    %get3A = arith.constant 0 : index
    %get3A_0 = arith.constant 0 : index
    %get3A_1 = vector.load %arg3[%get3A, %get3A_0] : memref<2000x1xf32, #tpu.memory_space<vmem>>, vector<2000x1xf32>
    %get3A_2 = arith.constant 0 : index
    %get3A_3 = arith.constant 0 : index
    %get3A_4 = arith.constant 0 : index
    %get3A_5 = vector.load %arg1[%get3A_2, %get3A_3, %get3A_4] : memref<2x2000x64xf32, #tpu.memory_space<vmem>>, vector<1x2000x64xf32>
    %get3A_6 = vector.shape_cast %get3A_5 : vector<1x2000x64xf32> to vector<2000x64xf32>
    %get3A_7 = arith.constant 1 : index
    %get3A_8 = arith.constant 0 : index
    %get3A_9 = arith.constant 0 : index
    %get3A_10 = vector.load %arg1[%get3A_7, %get3A_8, %get3A_9] : memref<2x2000x64xf32, #tpu.memory_space<vmem>>, vector<1x2000x64xf32>
    %get3A_11 = vector.shape_cast %get3A_10 : vector<1x2000x64xf32> to vector<2000x64xf32>
    %add3A = arith.addf %get3A_6, %get3A_11 : vector<2000x64xf32>
    %mul3A = vector.broadcast %get3A_1 : vector<2000x1xf32> to vector<2000x64xf32>
    %mul3A_12 = arith.mulf %add3A, %mul3A : vector<2000x64xf32>
    %get3A_13 = arith.constant 0 : index
    %get3A_14 = arith.constant 0 : index
    %get3A_15 = vector.load %arg2[%get3A_13, %get3A_14] : memref<2000x64xf32, #tpu.memory_space<vmem>>, vector<2000x64xf32>
    %mul3A_16 = arith.mulf %get3A_1, %get3A_1 : vector<2000x1xf32>
    %mul3A_17 = vector.broadcast %mul3A_16 : vector<2000x1xf32> to vector<2000x64xf32>
    %mul3A_18 = arith.mulf %get3A_15, %mul3A_17 : vector<2000x64xf32>
    %add3A_19 = arith.addf %mul3A_12, %mul3A_18 : vector<2000x64xf32>
    %get3A_20 = arith.constant 0 : index
    %get3A_21 = vector.load %arg4[%get3A_20] : memref<64xf32, #tpu.memory_space<vmem>>, vector<64xf32>
    %broadcast_in_dim3A = vector.shape_cast %get3A_21 : vector<64xf32> to vector<1x64xf32>
    %add3A_22 = vector.broadcast %broadcast_in_dim3A : vector<1x64xf32> to vector<2000x64xf32>
    %add3A_23 = arith.addf %add3A_19, %add3A_22 : vector<2000x64xf32>
    %max3A = arith.constant 0.000000e+00 : f32
    %max3A_24 = vector.broadcast %max3A : f32 to vector<2000x64xf32>
    %max3A_25 = arith.maximumf %add3A_23, %max3A_24 : vector<2000x64xf32>
    %get3A_26 = arith.constant 0 : index
    %get3A_27 = arith.constant 0 : index
    %get3A_28 = vector.load %arg5[%get3A_26, %get3A_27] : memref<64x64xf32, #tpu.memory_space<vmem>>, vector<64x64xf32>
    %dot_general3A = arith.constant dense<0.000000e+00> : vector<2000x64xf32>
    %dot_general3A_29 = tpu.matmul %max3A_25, %get3A_28, %dot_general3A {dimension_numbers = #tpu.dot_dimension_numbers<[1], [0], [0], [1], [0, 0, 1, 1], [], []>, transpose_lhs_hint = false} : vector<2000x64xf32>, vector<64x64xf32>, vector<2000x64xf32> -> vector<2000x64xf32>
    %swap3A = arith.constant 0 : index
    %swap3A_30 = arith.constant 0 : index
    %swap3A_31 = vector.load %arg6[%swap3A, %swap3A_30] : memref<2000x64xf32, #tpu.memory_space<vmem>>, vector<2000x64xf32>
    tpu.vector_store %arg6[%swap3A, %swap3A_30], %dot_general3A_29 {strides = array<i32>} : memref<2000x64xf32, #tpu.memory_space<vmem>>, vector<2000x64xf32>,
    %mul3A_32 = vector.broadcast %get3A_1 : vector<2000x1xf32> to vector<2000x64xf32>
    %mul3A_33 = arith.mulf %dot_general3A_29, %mul3A_32 : vector<2000x64xf32>
    %swap3A_34 = arith.constant 0 : index
    %swap3A_35 = arith.constant 0 : index
    %swap3A_36 = vector.load %arg7[%swap3A_34, %swap3A_35] : memref<2000x64xf32, #tpu.memory_space<vmem>>, vector<2000x64xf32>
    tpu.vector_store %arg7[%swap3A_34, %swap3A_35], %mul3A_33 {strides = array<i32>} : memref<2000x64xf32, #tpu.memory_space<vmem>>, vector<2000x64xf32>,
    return
  }
  func.func @transform_0(%arg0: i32) -> (i32, i32, i32) {
    %c0_i32 = arith.constant 0 : i32
    %c0_i32_0 = arith.constant 0 : i32
    %c0_i32_1 = arith.constant 0 : i32
    return %c0_i32, %arg0, %c0_i32_0 : i32, i32, i32
  }
  func.func @transform_1(%arg0: i32) -> (i32, i32) {
    %c0_i32 = arith.constant 0 : i32
    %c0_i32_0 = arith.constant 0 : i32
    return %arg0, %c0_i32 : i32, i32
  }
  func.func @transform_2(%arg0: i32) -> (i32, i32) {
    %c0_i32 = arith.constant 0 : i32
    %c0_i32_0 = arith.constant 0 : i32
    return %arg0, %c0_i32 : i32, i32
  }
  func.func @transform_3(%arg0: i32) -> i32 {
    %c0_i32 = arith.constant 0 : i32
    %c0_i32_0 = arith.constant 0 : i32
    return %c0_i32 : i32
  }
  func.func @transform_4(%arg0: i32) -> (i32, i32) {
    %c0_i32 = arith.constant 0 : i32
    %c0_i32_0 = arith.constant 0 : i32
    %c0_i32_1 = arith.constant 0 : i32
    return %c0_i32, %c0_i32_0 : i32, i32
  }
  func.func @transform_5(%arg0: i32) -> (i32, i32) {
    %c0_i32 = arith.constant 0 : i32
    %c0_i32_0 = arith.constant 0 : i32
    return %arg0, %c0_i32 : i32, i32
  }
  func.func @transform_6(%arg0: i32) -> (i32, i32) {
    %c0_i32 = arith.constant 0 : i32
    %c0_i32_0 = arith.constant 0 : i32
    return %arg0, %c0_i32 : i32, i32
  }
}

module attributes {stable_mosaic.version = 14 : i64} {
  func.func @body(%arg0: i32, %arg1: memref<2x2000x64xf32, #tpu.memory_space<vmem>>, %arg2: memref<2000x64xf32, #tpu.memory_space<vmem>>, %arg3: memref<2000x1xf32, #tpu.memory_space<vmem>>, %arg4: memref<64xf32, #tpu.memory_space<vmem>>, %arg5: memref<2000x64xf32, #tpu.memory_space<vmem>>) attributes {dimension_semantics = [#tpu.dimension_semantics<arbitrary>], iteration_bounds = array<i64: 5>, scalar_prefetch = 0 : i64, scratch_operands = 0 : i64, tpu.core_type = #tpu.core_type<tc>, window_params = [{transform_indices = @transform_0, window_bounds = array<i64: 2, 2000, 64>}, {transform_indices = @transform_1, window_bounds = array<i64: 2000, 64>}, {transform_indices = @transform_2, window_bounds = array<i64: 2000, 1>}, {pipeline_mode = #tpu.pipeline_mode<synchronous>, transform_indices = @transform_3, window_bounds = array<i64: 64>}, {transform_indices = @transform_4, window_bounds = array<i64: 2000, 64>}]} {
    %get3A = arith.constant 0 : index
    %get3A_0 = arith.constant 0 : index
    %get3A_1 = vector.load %arg3[%get3A, %get3A_0] : memref<2000x1xf32, #tpu.memory_space<vmem>>, vector<2000x1xf32>
    %get3A_2 = arith.constant 0 : index
    %get3A_3 = arith.constant 0 : index
    %get3A_4 = arith.constant 0 : index
    %get3A_5 = vector.load %arg1[%get3A_2, %get3A_3, %get3A_4] : memref<2x2000x64xf32, #tpu.memory_space<vmem>>, vector<1x2000x64xf32>
    %get3A_6 = vector.shape_cast %get3A_5 : vector<1x2000x64xf32> to vector<2000x64xf32>
    %get3A_7 = arith.constant 1 : index
    %get3A_8 = arith.constant 0 : index
    %get3A_9 = arith.constant 0 : index
    %get3A_10 = vector.load %arg1[%get3A_7, %get3A_8, %get3A_9] : memref<2x2000x64xf32, #tpu.memory_space<vmem>>, vector<1x2000x64xf32>
    %get3A_11 = vector.shape_cast %get3A_10 : vector<1x2000x64xf32> to vector<2000x64xf32>
    %add3A = arith.addf %get3A_6, %get3A_11 : vector<2000x64xf32>
    %mul3A = vector.broadcast %get3A_1 : vector<2000x1xf32> to vector<2000x64xf32>
    %mul3A_12 = arith.mulf %add3A, %mul3A : vector<2000x64xf32>
    %get3A_13 = arith.constant 0 : index
    %get3A_14 = arith.constant 0 : index
    %get3A_15 = vector.load %arg2[%get3A_13, %get3A_14] : memref<2000x64xf32, #tpu.memory_space<vmem>>, vector<2000x64xf32>
    %mul3A_16 = arith.mulf %get3A_1, %get3A_1 : vector<2000x1xf32>
    %mul3A_17 = vector.broadcast %mul3A_16 : vector<2000x1xf32> to vector<2000x64xf32>
    %mul3A_18 = arith.mulf %get3A_15, %mul3A_17 : vector<2000x64xf32>
    %add3A_19 = arith.addf %mul3A_12, %mul3A_18 : vector<2000x64xf32>
    %get3A_20 = arith.constant 0 : index
    %get3A_21 = vector.load %arg4[%get3A_20] : memref<64xf32, #tpu.memory_space<vmem>>, vector<64xf32>
    %broadcast_in_dim3A = vector.shape_cast %get3A_21 : vector<64xf32> to vector<1x64xf32>
    %add3A_22 = vector.broadcast %broadcast_in_dim3A : vector<1x64xf32> to vector<2000x64xf32>
    %add3A_23 = arith.addf %add3A_19, %add3A_22 : vector<2000x64xf32>
    %swap3A = arith.constant 0 : index
    %swap3A_24 = arith.constant 0 : index
    %swap3A_25 = vector.load %arg5[%swap3A, %swap3A_24] : memref<2000x64xf32, #tpu.memory_space<vmem>>, vector<2000x64xf32>
    tpu.vector_store %arg5[%swap3A, %swap3A_24], %add3A_23 {strides = array<i32>} : memref<2000x64xf32, #tpu.memory_space<vmem>>, vector<2000x64xf32>,
    return
  }
  func.func @transform_0(%arg0: i32) -> (i32, i32, i32) {
    %c0_i32 = arith.constant 0 : i32
    %c0_i32_0 = arith.constant 0 : i32
    %c0_i32_1 = arith.constant 0 : i32
    return %c0_i32, %arg0, %c0_i32_0 : i32, i32, i32
  }
  func.func @transform_1(%arg0: i32) -> (i32, i32) {
    %c0_i32 = arith.constant 0 : i32
    %c0_i32_0 = arith.constant 0 : i32
    return %arg0, %c0_i32 : i32, i32
  }
  func.func @transform_2(%arg0: i32) -> (i32, i32) {
    %c0_i32 = arith.constant 0 : i32
    %c0_i32_0 = arith.constant 0 : i32
    return %arg0, %c0_i32 : i32, i32
  }
  func.func @transform_3(%arg0: i32) -> i32 {
    %c0_i32 = arith.constant 0 : i32
    %c0_i32_0 = arith.constant 0 : i32
    return %c0_i32 : i32
  }
  func.func @transform_4(%arg0: i32) -> (i32, i32) {
    %c0_i32 = arith.constant 0 : i32
    %c0_i32_0 = arith.constant 0 : i32
    return %arg0, %c0_i32 : i32, i32
  }
}

</mosaic_0001>

<sc_bundles>
// kernel: kernel.11.cloned.1.call-start
scs
__scs_entry_jumppad:
0x0: {  	(pc) =	sbr.rel $0x88, $3  }
0x1: {  	(tag) =	ssettag $0x0;
	lr =	simm.s32 $0x1  }
0x2: {  	[smem:$0x3F9B] =	sst lr;
	_ =	strace $0xD0000000  }
0x3: {  	_ = 	snop  }
0x4: {  	_ = 	snop  }
0x5: {  	_ = 	snop  }
0x6: {  	_ = 	snop  }
0x7: {  	_ = 	snop  }
__scs_overlays_trampoline_lowered:
0x8: {  	[smem:$0x3FAA] =	sst s0  }
0x9: {  	[smem:$0x3FAB] =	sst s1  }
0xa: {  	[smem:$0x3FAC] =	sst s2  }
0xb: {  	[smem:$0x3FAD] =	sst s3  }
0xc: {  	[smem:$0x3FAE] =	sst s4  }
0xd: {  	[smem:$0x3FAF] =	sst s5  }
0xe: {  	[smem:$0x3FB0] =	sst s6  }
0xf: {  	[smem:$0x3FB1] =	sst s7  }
0x10: {  	[smem:$0x3FB2] =	sst s8  }
0x11: {  	[smem:$0x3FB3] =	sst s9;
	s0 =	simm.s32 @!p0 $0x0  }
0x12: {  	s1 =	sld [smem:$0x3F99];
	s0 =	simm.s32 @p0 $0x1  }
0x13: {  	[smem:$0x3FB4] =	sst s0;
	s0 =	simm.s32 @!p1 $0x0  }
0x14: {  	s2 =	sld [smem:$0x3F98];
	s0 =	simm.s32 @p1 $0x1  }
0x15: {  	[smem:$0x3FB5] =	sst s0;
	s0 =	simm.s32 @!p2 $0x0  }
0x16: {  	s3 =	sld [smem:$0x3FDB];
	s0 =	simm.s32 @p2 $0x1  }
0x17: {  	s4 =	simm.s32 $0x1BF5;
	[smem:$0x3FB7] =	sst s0  }
0x18: {  	s0 =	sld [smem:$0x3F9A];
	_ =	swait.ge [sflag:s4], $0x0  }
0x19: {  	s7 =	sld [smem:$0x3F9B]  }
0x1a: {  	s8 =	sadd.s32 $0xFFFFE003, lr  }
0x1b: {  	s9 =	sadd.s32 $0xFFFFFEF7, lr;
	s5 =	simm.s32 $0xFFFFFFFF;
	p2 =	slt.u32 s8, $0xFFFFF086  }
0x1c: {  	p1 =	slt.u32 s9, $0xF7A;
	s5 =	simm.s32 @!p2 $0x0  }
0x1d: {  	s5 =	simm.s32 @p1 $0x1;
	p0 =	seq.s32 s7, s2  }
0x1e: {  	s7 =	smul.u32 @!p0 $0xF7A, s2;
	p2 =	seq.s32 @!p0 s5, $0x0  }
0x1f: {  	s9 =	smul.u32 $0xF7A, s1;
	s8 =	simm.s32 @!p0 $0x1BF5;
	p2 =	por !p2, p0  }
0x20: {  	[sflag:s8] =	ssyncset.s32 @!p0 $0xFFFFF086;
	s6 =	sadd.s32 @!p0 s3, s7;
	s7 =	simm.s32 @!p0 $0x108  }
0x21: {  	s3 =	sadd.s32 s3, s9;
	s6 =	sadd.s32 @!p0 $0x88, s6;
	s7 =	simm.s32 @p2 $0x1082  }
0x22: {  	[simem:s7], [sflag:s8] =	dma.local @!p0 [hbm:s6], $0xF7A  }
0x23: {  	s9 =	sor.u32 $0xD0000000, s2;
	s6 =	simm.s32 $0x108;
	_ =	swait.ge @!p0 [sflag:s8], $0x0  }
0x24: {  	s3 =	sadd.s32 $0x88, s3;
	s6 =	simm.s32 @!p1 $0x1082;
	[sflag:s4] =	ssyncset.s32 $0xFFFFF086  }
0x25: {  	[simem:s6], [sflag:s4] =	dma.local [hbm:s3], $0xF7A  }
0x26: {  	[smem:$0x3F9B] =	sst s1;
	(tag) =	ssettag s2;
	_ =	strace s9  }
0x27: {  	s1 =	sld [smem:$0x3FAB]  }
0x28: {  	s2 =	sld [smem:$0x3FAC]  }
0x29: {  	s4 =	sld [smem:$0x3FAE]  }
0x2a: {  	p0 =	seq.s32 s5, $0x0;
	s5 =	sld [smem:$0x3FAF]  }
0x2b: {  	s6 =	sld [smem:$0x3FB0]  }
0x2c: {  	s7 =	sld [smem:$0x3FB1]  }
0x2d: {  	s3 =	simm.s32 $0x108;
	s8 =	sld [smem:$0x3FB2]  }
0x2e: {  	s3 =	simm.s32 @!p0 $0x1082;
	s9 =	sld [smem:$0x3FB3]  }
0x2f: {  	lr =	sadd.s32 s0, s3;
	s0 =	sld [smem:$0x3FAA]  }
0x30: {  	s3 =	sld [smem:$0x3FAD]  }
0x31: {  	[smem:$0x3FB6] =	sst s10  }
0x32: {  	s10 =	sld [smem:$0x3FB4];
	_ =	sdelay $0x3  }
0x33: {  	p0 =	seq.s32 s10, $0x1;
	s10 =	sld [smem:$0x3FB6];
	_ =	sdelay $0x3  }
0x34: {  	[smem:$0x3FB6] =	sst s10  }
0x35: {  	s10 =	sld [smem:$0x3FB5];
	_ =	sdelay $0x3  }
0x36: {  	p1 =	seq.s32 s10, $0x1;
	s10 =	sld [smem:$0x3FB6];
	_ =	sdelay $0x3  }
0x37: {  	[smem:$0x3FB6] =	sst s10  }
0x38: {  	s10 =	sld [smem:$0x3FB7]  }
0x39: {  	_ = 	snop;
	(pc) =	sbr.ind lr, $3  }
0x3a: {  	_ = 	snop  }
0x3b: {  	_ = 	snop  }
0x3c: {  	p2 =	seq.s32 s10, $0x1;
	s10 =	sld [smem:$0x3FB6]  }
0x3d: {  	_ =	shalt  }
0x3e: {  	_ =	shalt  }
0x3f: {  	_ =	shalt  }
0x40: {  	_ =	shalt  }
0x41: {  	_ =	shalt  }
0x42: {  	_ =	shalt  }
0x43: {  	_ =	shalt  }
0x44: {  	_ =	shalt  }
0x45: {  	_ =	shalt  }
0x46: {  	_ =	shalt  }
0x47: {  	_ =	shalt  }
0x48: {  	_ =	shalt  }
0x49: {  	_ =	shalt  }
0x4a: {  	_ =	shalt  }
0x4b: {  	_ =	shalt  }
0x4c: {  	_ =	shalt  }
0x4d: {  	_ =	shalt  }
0x4e: {  	_ =	shalt  }
0x4f: {  	_ =	shalt  }
0x50: {  	_ =	shalt  }
0x51: {  	_ =	shalt  }
0x52: {  	_ =	shalt  }
0x53: {  	_ =	shalt  }
0x54: {  	_ =	shalt  }
0x55: {  	_ =	shalt  }
0x56: {  	_ =	shalt  }
0x57: {  	_ =	shalt  }
0x58: {  	_ =	shalt  }
0x59: {  	_ =	shalt  }
0x5a: {  	_ =	shalt  }
0x5b: {  	_ =	shalt  }
0x5c: {  	_ =	shalt  }
0x5d: {  	_ =	shalt  }
0x5e: {  	_ =	shalt  }
0x5f: {  	_ =	shalt  }
0x60: {  	_ =	shalt  }
0x61: {  	_ =	shalt  }
0x62: {  	_ =	shalt  }
0x63: {  	_ =	shalt  }
0x64: {  	_ =	shalt  }
0x65: {  	_ =	shalt  }
0x66: {  	_ =	shalt  }
0x67: {  	_ =	shalt  }
0x68: {  	_ =	shalt  }
0x69: {  	_ =	shalt  }
0x6a: {  	_ =	shalt  }
0x6b: {  	_ =	shalt  }
0x6c: {  	_ =	shalt  }
0x6d: {  	_ =	shalt  }
0x6e: {  	_ =	shalt  }
0x6f: {  	_ =	shalt  }
0x70: {  	_ =	shalt  }
0x71: {  	_ =	shalt  }
0x72: {  	_ =	shalt  }
0x73: {  	_ =	shalt  }
0x74: {  	_ =	shalt  }
0x75: {  	_ =	shalt  }
0x76: {  	_ =	shalt  }
0x77: {  	_ =	shalt  }
0x78: {  	_ =	shalt  }
0x79: {  	_ =	shalt  }
0x7a: {  	_ =	shalt  }
0x7b: {  	_ =	shalt  }
0x7c: {  	_ =	shalt  }
0x7d: {  	_ =	shalt  }
0x7e: {  	_ =	shalt  }
0x7f: {  	_ =	shalt  }
0x80: {  	_ =	shalt  }
0x81: {  	_ =	shalt  }
0x82: {  	_ =	shalt  }
0x83: {  	_ =	shalt  }
0x84: {  	_ =	shalt  }
0x85: {  	_ =	shalt  }
0x86: {  	_ =	shalt  }
0x87: {  	_ =	shalt  }
.Lfunc_end0:
.L_simem_size_0:
called_computation.1_lowered:
.L_overlay_start_0:
0x88: {  	s2 =	sld [smem:$0x3FD9]  }
0x89: {  	s3 =	sld [smem:$0x3FFE];
	_ =	sdelay $0x1  }
0x8a: {  	s1 =	srdreg.scid  }
0x8b: {  	s0 =	sand.u32 $0x1, s1  }
0x8c: {  	s17 =	sshll.u32 s0, $0xA;
	s2 =	sadd.s32 s3, s2  }
0x8d: {  	s2 =	sadd.s32 s2, s17  }
0x8e: {  	[smem:$0x3FC2] =	sst s2  }
0x8f: {  	_ = 	snop  }
0x90: {  	s2 =	sld [smem:$0x3FD0];
	(tm) =	ssettm $0x1  }
0x91: {  	s18 =	sld [smem:$0x3FFB];
	_ =	sdelay $0x3  }
0x92: {  	_ =	strace s18  }
0x93: {  	s3 =	sld [smem:$0x3FFC];
	_ =	sdelay $0x3  }
0x94: {  	_ =	strace s3  }
0x95: {  	s3 =	sld [smem:$0x3FFD];
	_ =	sdelay $0x3  }
0x96: {  	_ =	strace s3  }
0x97: {  	_ =	strace $0x8FFFFFFF  }
0x98: {  	s19 =	sld [smem:$0x3FDB];
	_ =	sdelay $0x1  }
0x99: {  	s4 =	simm.s32 $_scs_section_size  }
0x9a: {  	s5 =	simm.s32 $_size__tile_overlayer_lowered;
	s6 =	simm.s32 $_tile_overlayer_lowered  }
0x9b: {  	s22 =	simm.s32 $0x1BFF;
	s21 =	sshll.u32 s6, $0x1;
	s3 =	sadd.s32 s4, s19  }
0x9c: {  	s7 =	simm.s32 $0x0;
	s20 =	sshll.u32 s5, $0x1;
	s5 =	sadd.s32 s21, s3  }
0x9d: {  	[timem:s7], [sflag:s22] =	dma.local [hbm:s5], s20  }
0x9e: {  	_ =	swait.ge [sflag:s22], s20  }
0x9f: {  	s4 =	ssub.s32 $0x0, s20;
	[sflag:s22] =	ssyncset.done $0x0  }
0xa0: {  	[sflag:s22] =	ssyncadd.s32 s4;
	_ =	sdelay $0x1  }
0xa1: {  	s23 =	simm.s32 $0x1B8B  }
0xa2: {  	_ =	swait.ge [sflag:s23], $0x1  }
0xa3: {  	[sflag:s23] =	ssyncset.done $0x0  }
0xa4: {  	s25 =	simm.s32 $0x1B8E;
	s24 =	sld [smem:$0x3FFE];
	[sflag:s23] =	ssyncadd.s32 $0xFFFFFFFF  }
0xa5: {  	s26 =	simm.s32 $execute0_lowered;
	[smem:$0x3FD2] =	sst s25  }
0xa6: {  	s5 =	sshll.u32 s26, $0x1;
	_ =	strace $0x80000049;
	[dreg:$0x1] =	wrdreg $0xFFFFFFFF  }
0xa7: {  	s28 =	simm.s32 $_size_execute0_lowered;
	s3 =	sadd.s32 s3, s5;
	[dreg:$0x0] =	wrdreg $0x0  }
0xa8: {  	s5 =	sshll.u32 s28, $0x1;
	[dreg:$0x2] =	wrdreg s3  }
0xa9: {  	[dreg:$0x3] =	wrdreg s5  }
0xaa: {  	[dreg:$0x4] =	wrdreg $0xC0  }
0xab: {  	_ =	task [dreg:s7], $0x5FFFF  }
0xac: {  	[dreg:$0x1] =	wrdreg $0xFFFFFFFF  }
0xad: {  	[dreg:$0x0] =	wrdreg $0x60  }
0xae: {  	[dreg:$0x2] =	wrdreg s2  }
0xaf: {  	[dreg:$0x3] =	wrdreg s24  }
0xb0: {  	[dreg:$0x4] =	wrdreg $0x14A00  }
0xb1: {  	[dreg:$0x5] =	wrdreg $0x9  }
0xb2: {  	_ =	task.clear_ibuf [dreg:s7], $0x6FFFF;
	_ =	strace $0x90000049  }
0xb3: {  	s29 =	simm.s32 $0x9;
	_ =	strace $0x8000004B  }
0xb4: {  	_ =	swait.ge [sflag:s29], $0x1  }
0xb5: {  	[sflag:s29] =	ssyncadd.s32 $0xFFFFFFFF  }
0xb6: {  	_ =	strace $0x9000004B  }
0xb7: {  	_ =	sfence  }
0xb8: {  	s30 =	sld [smem:$0x0];
	_ =	sdelay $0x2  }
0xb9: {  	s31 =	sshll.u32 s1, $0xD;
	s1 =	sshrl.u32 s1, $0x2  }
0xba: {  	s3 =	sand.u32 $0x4000, s31;
	s1 =	sadd.s32 s1, s30  }
0xbb: {  	s0 =	sor.u32 s3, s0;
	s1 =	sshll.u32 s1, $0x11  }
0xbc: {  	s0 =	sor.u32 s1, s0  }
0xbd: {  	s0 =	sadd.s32 $0x8F2B, s0  }
0xbe: {  	[sflag:s0] =	ssyncadd.remote.s32 $0x1  }
0xbf: {  	_ =	sfence.sel $0xFFFF  }
0xc0: {  	[dreg:$0x0] =	wrdreg $0xFFFFFFFF;
	(pc) =	sbr.abs _section_cstart, $3  }
0xc1: {  	[dreg:$0x1] =	wrdreg $0xFFFFFFFF  }
0xc2: {  	_ =	task.clear_ibuf [dreg:s7], $0x2FFFF;
	_ =	strace $0x9FFFFFFF  }
0xc3: {  	(tm) =	ssettm $0x7FFFFFFF  }
tec
execute0_lowered:
.L_overlay_start_1:
0x0: {  	(tag) =	ssettag $0x1  }
0x1: {  	s1 =	rddreg [dreg:$0x0]  }
0x2: {  	s5 =	rddreg [dreg:$0x1]  }
0x3: {  	s0 =	srdreg.scid;
	s3 =	rddreg [dreg:$0x2]  }
0x4: {  	s2 =	rddreg [dreg:$0x3];
	s6 =	sand.u32 $0x1, s0  }
0x5: {  	s4 =	simm.s32 $0x0;
	s0 =	stileid.u32;
	s7 =	smul.u32 $0x27100, s6  }
0x6: {  	s13 =	simm.s32 $0x50;
	s14 =	simm.s32 $0xA0;
	s8 =	smul.u32 $0x2710, s0  }
0x7: {  	s15 =	simm.s32 $0x1;
	s16 =	simm.s32 $0x0;
	s9 =	smul.u32 $0xA000, s0  }
0x8: {  	[smem:$0x7FF] =	sst s4;
	s26 =	smul.u32 $0xA0000, s6;
	s6 =	ssub.s32 $0x2, s6  }
0x9: {  	_ =	strace $0x8000004A;
	s31 =	sshll.u32 s0, $0x6;
	s30 =	sshrl.u32 s6, $0x1  }
0xa: {  	s7 =	sadd.s32 s8, s7;
	s28 =	sadd.s32 s9, s26;
	s29 =	sshrl.u32 s9, $0x3  }
0xb: {  	s11 =	ssub.s32 s6, s30;
	s12 =	sadd.s32 s9, s3;
	s7 =	sshrl.u32 s7, $0x3  }
0xc: {  	s8 =	sadd.s32 s29, s5;
	s10 =	sadd.s32 s7, s5;
	s7 =	sshrl.u32 s28, $0x3  }
0xd: {  	s6 =	sor.u32 $0x1C02, s31;
	s7 =	sadd.s32 s7, s5;
	s5 =	sadd.s32 $0x15600, s8  }
0xe: {  	s8 =	smax.u32 s11, $0x1;
	s9 =	sadd.s32 $0xB800, s10;
	s10 =	sadd.s32 $0x1A00, s10  }
0xf: {  	s11 =	sshrl.u32 s12, $0x3;
	s12 =	simm.s32 $0x2;
	s7 =	sadd.s32 $0x29600, s7  }
.LBB2_1:
0x10: {  	[spmem:s11], [sflag:s6] =	dma.local [hbm:s5], $0x1400  }
0x11: {  	_ =	swait.ge [sflag:s12], $0x1400  }
0x12: {  	[sflag:s12] =	ssyncset.done $0x0  }
0x13: {  	[sflag:s12] =	ssyncadd.s32 $0xFFFFEC00  }
0x14: {  	s17 =	sadd.s32 $0x0, s10;
	[bflag:$0x0] =	sbarrier.arrive $0xFFFF  }
0x15: {  	[tilespmem:s4], [sflag:$0x2] =	stream.linear.gather [hbm4b:s17+s4], $0x50, $0x38;
	[tilespmem:$0xB4A0] =	vst v63  }
0x16: {  	_ =	swait.ge [sflag:s12], $0x50  }
0x17: {  	[sflag:s12] =	ssyncset.done $0x0  }
0x18: {  	s31 =	sadd.s32 $0x0, s9;
	[sflag:s12] =	ssyncadd.s32 $0xFFFFFFB0  }
0x19: {  	[tilespmem:s13], [sflag:$0x2] =	stream.linear.gather [hbm4b:s31+s4], $0x50, $0x38;
	[tilespmem:$0xB4A0] =	vst v63  }
0x1a: {  	_ =	swait.ge [sflag:s12], $0x50  }
0x1b: {  	[sflag:s12] =	ssyncset.done $0x0  }
0x1c: {  	[sflag:s12] =	ssyncadd.s32 $0xFFFFFFB0  }
0x1d: {  	[tilespmem:s14], [sflag:$0x1] =	stream.indirect.gather [hbm4b:s1+s13], $0x40, s4, s13, $0xb8;
	[tilespmem:$0xB4A0] =	vst v63  }
0x1e: {  	_ =	swait.ge [sflag:s15], $0x1400  }
0x1f: {  	[sflag:s15] =	ssyncset.done $0x0  }
0x20: {  	[sflag:s15] =	ssyncadd.s32 $0xFFFFEC00  }
0x21: {  	[spmem:s3] =	stream.indirect.scatter.add.f32 [tilespmem:s14], [sflag:$0x2], $0x40, s13, s13, $0xb8;
	[tilespmem:$0xB4A0] =	vst v63  }
0x22: {  	_ =	swait.ge [sflag:s12], $0x1400  }
0x23: {  	s18 =	simm.s32 $0x14;
	s17 =	simm.s32 $0xA;
	[sflag:s12] =	ssyncset.done $0x0  }
.LBB2_2:
0x24: {  	s19 =	sadd.s32 s17, s10  }
0x25: {  	[sflag:s12] =	ssyncadd.s32 $0xFFFFEC00;
	s20 =	smov.u32 s18;
	s21 =	sadd.s32 $0xA, s18  }
0x26: {  	[tilespmem:s4], [sflag:$0x2] =	stream.linear.gather [hbm4b:s19+s4], $0x50, $0x38;
	[tilespmem:$0xB4A0] =	vst v63  }
0x27: {  	p0 =	sne.s32 s18, $0x4D8;
	_ =	swait.ge [sflag:s12], $0x50  }
0x28: {  	[sflag:s12] =	ssyncset.done $0x0  }
0x29: {  	s18 =	sadd.s32 s17, s9;
	s17 =	smov.u32 s20;
	[sflag:s12] =	ssyncadd.s32 $0xFFFFFFB0  }
0x2a: {  	[tilespmem:s13], [sflag:$0x2] =	stream.linear.gather [hbm4b:s18+s4], $0x50, $0x38;
	[tilespmem:$0xB4A0] =	vst v63  }
0x2b: {  	_ =	swait.ge [sflag:s12], $0x50  }
0x2c: {  	[sflag:s12] =	ssyncset.done $0x0  }
0x2d: {  	[sflag:s12] =	ssyncadd.s32 $0xFFFFFFB0  }
0x2e: {  	[tilespmem:s14], [sflag:$0x1] =	stream.indirect.gather [hbm4b:s1+s13], $0x40, s4, s13, $0xb8;
	[tilespmem:$0xB4A0] =	vst v63  }
0x2f: {  	_ =	swait.ge [sflag:s15], $0x1400  }
.Ltmp0:
0x30: {  	[sflag:s15] =	ssyncset.done $0x0;
	(pc) =	sbr.rel @p0 .LBB2_2-.Ltmp0, $4  }
0x31: {  	[sflag:s15] =	ssyncadd.s32 $0xFFFFEC00  }
0x32: {  	[spmem:s3] =	stream.indirect.scatter.add.f32 [tilespmem:s14], [sflag:$0x2], $0x40, s13, s13, $0xb8;
	[tilespmem:$0xB4A0] =	vst v63  }
0x33: {  	_ =	swait.ge [sflag:s12], $0x1400  }
0x34: {  	s18 =	smov.u32 s21;
	[sflag:s12] =	ssyncset.done $0x0  }
0x35: {  	s18 =	sadd.s32 s17, s10;
	[sflag:s12] =	ssyncadd.s32 $0xFFFFEC00  }
0x36: {  	[tilespmem:s4], [sflag:$0x2] =	stream.linear.gather [hbm4b:s18+s4], $0x50, $0x38;
	[tilespmem:$0xB4A0] =	vst v63  }
0x37: {  	_ =	swait.ge [sflag:s12], $0x50  }
0x38: {  	[sflag:s12] =	ssyncset.done $0x0  }
0x39: {  	s31 =	sadd.s32 s17, s9;
	[sflag:s12] =	ssyncadd.s32 $0xFFFFFFB0  }
0x3a: {  	[tilespmem:s13], [sflag:$0x2] =	stream.linear.gather [hbm4b:s31+s4], $0x50, $0x38;
	[tilespmem:$0xB4A0] =	vst v63  }
0x3b: {  	_ =	swait.ge [sflag:s12], $0x50  }
0x3c: {  	[sflag:s12] =	ssyncset.done $0x0  }
0x3d: {  	[sflag:s12] =	ssyncadd.s32 $0xFFFFFFB0  }
0x3e: {  	[tilespmem:s14], [sflag:$0x1] =	stream.indirect.gather [hbm4b:s1+s13], $0x40, s4, s13, $0xb8;
	[tilespmem:$0xB4A0] =	vst v63  }
0x3f: {  	_ =	swait.ge [sflag:s15], $0x1400  }
0x40: {  	[sflag:s15] =	ssyncset.done $0x0  }
0x41: {  	[sflag:s15] =	ssyncadd.s32 $0xFFFFEC00  }
0x42: {  	[spmem:s3] =	stream.indirect.scatter.add.f32 [tilespmem:s14], [sflag:$0x2], $0x40, s13, s13, $0xb8;
	[tilespmem:$0xB4A0] =	vst v63  }
0x43: {  	_ =	swait.ge [sflag:s12], $0x1400  }
0x44: {  	s16 =	sadd.s32 $0x1, s16;
	[sflag:s12] =	ssyncset.done $0x0  }
0x45: {  	p0 =	sne.s32 s16, s8;
	[sflag:s12] =	ssyncadd.s32 $0xFFFFEC00  }
.Ltmp1:
0x46: {  	[bflag:$0x0] =	sbarrier.arrive $0xFFFF;
	(pc) =	sbr.rel @p0 .LBB2_1-.Ltmp1, $4  }
0x47: {  	[hbm:s7], [sflag:s6] =	dma.local [spmem:s11], $0x1400  }
0x48: {  	_ =	swait.ge [sflag:s12], $0x1400  }
0x49: {  	[sflag:s12] =	ssyncset.done $0x0  }
0x4a: {  	[sflag:s12] =	ssyncadd.s32 $0xFFFFEC00  }
0x4b: {  	_ =	sfence.sel $0x180000  }
0x4c: {  	[bflag:$0x0] =	sbarrier.arrive $0xFFFF  }
0x4d: {  	p0 =	sne.s32 s0, $0x0;
	_ =	strace $0x9000004A  }
0x4e: {  	s0 =	sadd.s32 @!p0 $0x100000, s2;
	[bflag:$0x2] =	sbarrier.arrive $0xFFFF  }
0x4f: {  	[sflag:s0] =	ssyncadd.tile.s32 @!p0 $0x1;
	_ =	shalt  }
.Lfunc_end2:
_tile_overlayer_lowered:
.L_overlay_start_2:
0x50: {  	(tag) =	ssettag $0x2  }
0x51: {  	s0 =	rddreg [dreg:$0x0];
	s2 =	stileid.u32  }
0x52: {  	s1 =	rddreg [dreg:$0x1];
	p0 =	sne.s32 s2, $0x0  }
0x53: {  	s3 =	rddreg [dreg:$0x2];
	[bflag:$0x3] =	sbarrier.arrive $0xFFFF;
	s2 =	simm.s32 @!p0 $0x1C02  }
0x54: {  	[timem:s3], [sflag:s2] =	dma.local @!p0 [hbm:s0], s1  }
0x55: {  	s0 =	simm.s32 @!p0 $0x2  }
0x56: {  	_ =	swait.ge @!p0 [sflag:s0], s1  }
0x57: {  	s1 =	ssub.s32 @!p0 $0x0, s1;
	[sflag:s0] =	ssyncset.done @!p0 $0x0  }
0x58: {  	[sflag:s0] =	ssyncadd.s32 @!p0 s1  }
0x59: {  	[bflag:$0x3] =	sbarrier.arrive $0xFFFF  }
0x5a: {  	_ =	shalt  }

// kernel: kernel.14.cloned.1.call-start
scs
__scs_entry_jumppad:
0x0: {  	(pc) =	sbr.rel $0x88, $3  }
0x1: {  	(tag) =	ssettag $0x0;
	lr =	simm.s32 $0x1  }
0x2: {  	[smem:$0x3F9B] =	sst lr;
	_ =	strace $0xD0000000  }
0x3: {  	_ = 	snop  }
0x4: {  	_ = 	snop  }
0x5: {  	_ = 	snop  }
0x6: {  	_ = 	snop  }
0x7: {  	_ = 	snop  }
__scs_overlays_trampoline_lowered:
0x8: {  	[smem:$0x3FAA] =	sst s0  }
0x9: {  	[smem:$0x3FAB] =	sst s1  }
0xa: {  	[smem:$0x3FAC] =	sst s2  }
0xb: {  	[smem:$0x3FAD] =	sst s3  }
0xc: {  	[smem:$0x3FAE] =	sst s4  }
0xd: {  	[smem:$0x3FAF] =	sst s5  }
0xe: {  	[smem:$0x3FB0] =	sst s6  }
0xf: {  	[smem:$0x3FB1] =	sst s7  }
0x10: {  	[smem:$0x3FB2] =	sst s8  }
0x11: {  	[smem:$0x3FB3] =	sst s9;
	s0 =	simm.s32 @!p0 $0x0  }
0x12: {  	s1 =	sld [smem:$0x3F99];
	s0 =	simm.s32 @p0 $0x1  }
0x13: {  	[smem:$0x3FB4] =	sst s0;
	s0 =	simm.s32 @!p1 $0x0  }
0x14: {  	s2 =	sld [smem:$0x3F98];
	s0 =	simm.s32 @p1 $0x1  }
0x15: {  	[smem:$0x3FB5] =	sst s0;
	s0 =	simm.s32 @!p2 $0x0  }
0x16: {  	s3 =	sld [smem:$0x3FDB];
	s0 =	simm.s32 @p2 $0x1  }
0x17: {  	s4 =	simm.s32 $0x1BF5;
	[smem:$0x3FB7] =	sst s0  }
0x18: {  	s0 =	sld [smem:$0x3F9A];
	_ =	swait.ge [sflag:s4], $0x0  }
0x19: {  	s7 =	sld [smem:$0x3F9B]  }
0x1a: {  	s8 =	sadd.s32 $0xFFFFE003, lr  }
0x1b: {  	s9 =	sadd.s32 $0xFFFFFEF7, lr;
	s5 =	simm.s32 $0xFFFFFFFF;
	p2 =	slt.u32 s8, $0xFFFFF086  }
0x1c: {  	p1 =	slt.u32 s9, $0xF7A;
	s5 =	simm.s32 @!p2 $0x0  }
0x1d: {  	s5 =	simm.s32 @p1 $0x1;
	p0 =	seq.s32 s7, s2  }
0x1e: {  	s7 =	smul.u32 @!p0 $0xF7A, s2;
	p2 =	seq.s32 @!p0 s5, $0x0  }
0x1f: {  	s9 =	smul.u32 $0xF7A, s1;
	s8 =	simm.s32 @!p0 $0x1BF5;
	p2 =	por !p2, p0  }
0x20: {  	[sflag:s8] =	ssyncset.s32 @!p0 $0xFFFFF086;
	s6 =	sadd.s32 @!p0 s3, s7;
	s7 =	simm.s32 @!p0 $0x108  }
0x21: {  	s3 =	sadd.s32 s3, s9;
	s6 =	sadd.s32 @!p0 $0x88, s6;
	s7 =	simm.s32 @p2 $0x1082  }
0x22: {  	[simem:s7], [sflag:s8] =	dma.local @!p0 [hbm:s6], $0xF7A  }
0x23: {  	s9 =	sor.u32 $0xD0000000, s2;
	s6 =	simm.s32 $0x108;
	_ =	swait.ge @!p0 [sflag:s8], $0x0  }
0x24: {  	s3 =	sadd.s32 $0x88, s3;
	s6 =	simm.s32 @!p1 $0x1082;
	[sflag:s4] =	ssyncset.s32 $0xFFFFF086  }
0x25: {  	[simem:s6], [sflag:s4] =	dma.local [hbm:s3], $0xF7A  }
0x26: {  	[smem:$0x3F9B] =	sst s1;
	(tag) =	ssettag s2;
	_ =	strace s9  }
0x27: {  	s1 =	sld [smem:$0x3FAB]  }
0x28: {  	s2 =	sld [smem:$0x3FAC]  }
0x29: {  	s4 =	sld [smem:$0x3FAE]  }
0x2a: {  	p0 =	seq.s32 s5, $0x0;
	s5 =	sld [smem:$0x3FAF]  }
0x2b: {  	s6 =	sld [smem:$0x3FB0]  }
0x2c: {  	s7 =	sld [smem:$0x3FB1]  }
0x2d: {  	s3 =	simm.s32 $0x108;
	s8 =	sld [smem:$0x3FB2]  }
0x2e: {  	s3 =	simm.s32 @!p0 $0x1082;
	s9 =	sld [smem:$0x3FB3]  }
0x2f: {  	lr =	sadd.s32 s0, s3;
	s0 =	sld [smem:$0x3FAA]  }
0x30: {  	s3 =	sld [smem:$0x3FAD]  }
0x31: {  	[smem:$0x3FB6] =	sst s10  }
0x32: {  	s10 =	sld [smem:$0x3FB4];
	_ =	sdelay $0x3  }
0x33: {  	p0 =	seq.s32 s10, $0x1;
	s10 =	sld [smem:$0x3FB6];
	_ =	sdelay $0x3  }
0x34: {  	[smem:$0x3FB6] =	sst s10  }
0x35: {  	s10 =	sld [smem:$0x3FB5];
	_ =	sdelay $0x3  }
0x36: {  	p1 =	seq.s32 s10, $0x1;
	s10 =	sld [smem:$0x3FB6];
	_ =	sdelay $0x3  }
0x37: {  	[smem:$0x3FB6] =	sst s10  }
0x38: {  	s10 =	sld [smem:$0x3FB7]  }
0x39: {  	_ = 	snop;
	(pc) =	sbr.ind lr, $3  }
0x3a: {  	_ = 	snop  }
0x3b: {  	_ = 	snop  }
0x3c: {  	p2 =	seq.s32 s10, $0x1;
	s10 =	sld [smem:$0x3FB6]  }
0x3d: {  	_ =	shalt  }
0x3e: {  	_ =	shalt  }
0x3f: {  	_ =	shalt  }
0x40: {  	_ =	shalt  }
0x41: {  	_ =	shalt  }
0x42: {  	_ =	shalt  }
0x43: {  	_ =	shalt  }
0x44: {  	_ =	shalt  }
0x45: {  	_ =	shalt  }
0x46: {  	_ =	shalt  }
0x47: {  	_ =	shalt  }
0x48: {  	_ =	shalt  }
0x49: {  	_ =	shalt  }
0x4a: {  	_ =	shalt  }
0x4b: {  	_ =	shalt  }
0x4c: {  	_ =	shalt  }
0x4d: {  	_ =	shalt  }
0x4e: {  	_ =	shalt  }
0x4f: {  	_ =	shalt  }
0x50: {  	_ =	shalt  }
0x51: {  	_ =	shalt  }
0x52: {  	_ =	shalt  }
0x53: {  	_ =	shalt  }
0x54: {  	_ =	shalt  }
0x55: {  	_ =	shalt  }
0x56: {  	_ =	shalt  }
0x57: {  	_ =	shalt  }
0x58: {  	_ =	shalt  }
0x59: {  	_ =	shalt  }
0x5a: {  	_ =	shalt  }
0x5b: {  	_ =	shalt  }
0x5c: {  	_ =	shalt  }
0x5d: {  	_ =	shalt  }
0x5e: {  	_ =	shalt  }
0x5f: {  	_ =	shalt  }
0x60: {  	_ =	shalt  }
0x61: {  	_ =	shalt  }
0x62: {  	_ =	shalt  }
0x63: {  	_ =	shalt  }
0x64: {  	_ =	shalt  }
0x65: {  	_ =	shalt  }
0x66: {  	_ =	shalt  }
0x67: {  	_ =	shalt  }
0x68: {  	_ =	shalt  }
0x69: {  	_ =	shalt  }
0x6a: {  	_ =	shalt  }
0x6b: {  	_ =	shalt  }
0x6c: {  	_ =	shalt  }
0x6d: {  	_ =	shalt  }
0x6e: {  	_ =	shalt  }
0x6f: {  	_ =	shalt  }
0x70: {  	_ =	shalt  }
0x71: {  	_ =	shalt  }
0x72: {  	_ =	shalt  }
0x73: {  	_ =	shalt  }
0x74: {  	_ =	shalt  }
0x75: {  	_ =	shalt  }
0x76: {  	_ =	shalt  }
0x77: {  	_ =	shalt  }
0x78: {  	_ =	shalt  }
0x79: {  	_ =	shalt  }
0x7a: {  	_ =	shalt  }
0x7b: {  	_ =	shalt  }
0x7c: {  	_ =	shalt  }
0x7d: {  	_ =	shalt  }
0x7e: {  	_ =	shalt  }
0x7f: {  	_ =	shalt  }
0x80: {  	_ =	shalt  }
0x81: {  	_ =	shalt  }
0x82: {  	_ =	shalt  }
0x83: {  	_ =	shalt  }
0x84: {  	_ =	shalt  }
0x85: {  	_ =	shalt  }
0x86: {  	_ =	shalt  }
0x87: {  	_ =	shalt  }
.Lfunc_end0:
.L_simem_size_0:
called_computation.2_lowered:
.L_overlay_start_0:
0x88: {  	s2 =	sld [smem:$0x3FD9]  }
0x89: {  	s3 =	sld [smem:$0x3FFE];
	_ =	sdelay $0x1  }
0x8a: {  	s1 =	srdreg.scid  }
0x8b: {  	s0 =	sand.u32 $0x1, s1  }
0x8c: {  	s17 =	sshll.u32 s0, $0xA;
	s2 =	sadd.s32 s3, s2  }
0x8d: {  	s2 =	sadd.s32 s2, s17  }
0x8e: {  	[smem:$0x3FC2] =	sst s2  }
0x8f: {  	_ = 	snop  }
0x90: {  	s2 =	sld [smem:$0x3FD0];
	(tm) =	ssettm $0x1  }
0x91: {  	s18 =	sld [smem:$0x3FFB];
	_ =	sdelay $0x3  }
0x92: {  	_ =	strace s18  }
0x93: {  	s3 =	sld [smem:$0x3FFC];
	_ =	sdelay $0x3  }
0x94: {  	_ =	strace s3  }
0x95: {  	s3 =	sld [smem:$0x3FFD];
	_ =	sdelay $0x3  }
0x96: {  	_ =	strace s3  }
0x97: {  	_ =	strace $0x8FFFFFFF  }
0x98: {  	s19 =	sld [smem:$0x3FDB];
	_ =	sdelay $0x1  }
0x99: {  	s4 =	simm.s32 $_scs_section_size  }
0x9a: {  	s5 =	simm.s32 $_size__tile_overlayer_lowered;
	s6 =	simm.s32 $_tile_overlayer_lowered  }
0x9b: {  	s22 =	simm.s32 $0x1BFF;
	s21 =	sshll.u32 s6, $0x1;
	s3 =	sadd.s32 s4, s19  }
0x9c: {  	s7 =	simm.s32 $0x0;
	s20 =	sshll.u32 s5, $0x1;
	s5 =	sadd.s32 s21, s3  }
0x9d: {  	[timem:s7], [sflag:s22] =	dma.local [hbm:s5], s20  }
0x9e: {  	_ =	swait.ge [sflag:s22], s20  }
0x9f: {  	s4 =	ssub.s32 $0x0, s20;
	[sflag:s22] =	ssyncset.done $0x0  }
0xa0: {  	[sflag:s22] =	ssyncadd.s32 s4;
	_ =	sdelay $0x1  }
0xa1: {  	s23 =	simm.s32 $0x1B8B  }
0xa2: {  	_ =	swait.ge [sflag:s23], $0x1  }
0xa3: {  	[sflag:s23] =	ssyncset.done $0x0  }
0xa4: {  	s25 =	simm.s32 $0x1B8E;
	s24 =	sld [smem:$0x3FFE];
	[sflag:s23] =	ssyncadd.s32 $0xFFFFFFFF  }
0xa5: {  	s26 =	simm.s32 $execute0_lowered;
	[smem:$0x3FD2] =	sst s25  }
0xa6: {  	s5 =	sshll.u32 s26, $0x1;
	_ =	strace $0x8000004C;
	[dreg:$0x1] =	wrdreg $0xFFFFFFFF  }
0xa7: {  	s28 =	simm.s32 $_size_execute0_lowered;
	s3 =	sadd.s32 s3, s5;
	[dreg:$0x0] =	wrdreg $0x0  }
0xa8: {  	s5 =	sshll.u32 s28, $0x1;
	[dreg:$0x2] =	wrdreg s3  }
0xa9: {  	[dreg:$0x3] =	wrdreg s5  }
0xaa: {  	[dreg:$0x4] =	wrdreg $0xC0  }
0xab: {  	_ =	task [dreg:s7], $0x5FFFF  }
0xac: {  	[dreg:$0x1] =	wrdreg $0xFFFFFFFF  }
0xad: {  	[dreg:$0x0] =	wrdreg $0x60  }
0xae: {  	[dreg:$0x2] =	wrdreg s2  }
0xaf: {  	[dreg:$0x3] =	wrdreg s24  }
0xb0: {  	[dreg:$0x4] =	wrdreg $0x14A00  }
0xb1: {  	[dreg:$0x5] =	wrdreg $0x9  }
0xb2: {  	_ =	task.clear_ibuf [dreg:s7], $0x6FFFF;
	_ =	strace $0x9000004C  }
0xb3: {  	s29 =	simm.s32 $0x9;
	_ =	strace $0x8000004E  }
0xb4: {  	_ =	swait.ge [sflag:s29], $0x1  }
0xb5: {  	[sflag:s29] =	ssyncadd.s32 $0xFFFFFFFF  }
0xb6: {  	_ =	strace $0x9000004E  }
0xb7: {  	_ =	sfence  }
0xb8: {  	s30 =	sld [smem:$0x0];
	_ =	sdelay $0x2  }
0xb9: {  	s31 =	sshll.u32 s1, $0xD;
	s1 =	sshrl.u32 s1, $0x2  }
0xba: {  	s3 =	sand.u32 $0x4000, s31;
	s1 =	sadd.s32 s1, s30  }
0xbb: {  	s0 =	sor.u32 s3, s0;
	s1 =	sshll.u32 s1, $0x11  }
0xbc: {  	s0 =	sor.u32 s1, s0  }
0xbd: {  	s0 =	sadd.s32 $0x8F2B, s0  }
0xbe: {  	[sflag:s0] =	ssyncadd.remote.s32 $0x1  }
0xbf: {  	_ =	sfence.sel $0xFFFF  }
0xc0: {  	[dreg:$0x0] =	wrdreg $0xFFFFFFFF;
	(pc) =	sbr.abs _section_cstart, $3  }
0xc1: {  	[dreg:$0x1] =	wrdreg $0xFFFFFFFF  }
0xc2: {  	_ =	task.clear_ibuf [dreg:s7], $0x2FFFF;
	_ =	strace $0x9FFFFFFF  }
0xc3: {  	(tm) =	ssettm $0x7FFFFFFF  }
tec
execute0_lowered:
.L_overlay_start_1:
0x0: {  	(tag) =	ssettag $0x1  }
0x1: {  	s1 =	rddreg [dreg:$0x0]  }
0x2: {  	s5 =	rddreg [dreg:$0x1]  }
0x3: {  	s0 =	srdreg.scid;
	s3 =	rddreg [dreg:$0x2]  }
0x4: {  	s2 =	rddreg [dreg:$0x3];
	s6 =	sand.u32 $0x1, s0  }
0x5: {  	s4 =	simm.s32 $0x0;
	s0 =	stileid.u32;
	s7 =	smul.u32 $0x27100, s6  }
0x6: {  	s13 =	simm.s32 $0x50;
	s14 =	simm.s32 $0xA0;
	s8 =	smul.u32 $0x2710, s0  }
0x7: {  	s15 =	simm.s32 $0x1;
	s16 =	simm.s32 $0x0;
	s9 =	smul.u32 $0xA000, s0  }
0x8: {  	[smem:$0x7FF] =	sst s4;
	s26 =	smul.u32 $0xA0000, s6;
	s6 =	ssub.s32 $0x2, s6  }
0x9: {  	_ =	strace $0x8000004D;
	s31 =	sshll.u32 s0, $0x6;
	s30 =	sshrl.u32 s6, $0x1  }
0xa: {  	s7 =	sadd.s32 s8, s7;
	s28 =	sadd.s32 s9, s26;
	s29 =	sshrl.u32 s9, $0x3  }
0xb: {  	s11 =	ssub.s32 s6, s30;
	s12 =	sadd.s32 s9, s3;
	s7 =	sshrl.u32 s7, $0x3  }
0xc: {  	s8 =	sadd.s32 s29, s5;
	s10 =	sadd.s32 s7, s5;
	s7 =	sshrl.u32 s28, $0x3  }
0xd: {  	s6 =	sor.u32 $0x1C02, s31;
	s7 =	sadd.s32 s7, s5;
	s5 =	sadd.s32 $0x15600, s8  }
0xe: {  	s8 =	smax.u32 s11, $0x1;
	s9 =	sadd.s32 $0xB800, s10;
	s10 =	sadd.s32 $0x1A00, s10  }
0xf: {  	s11 =	sshrl.u32 s12, $0x3;
	s12 =	simm.s32 $0x2;
	s7 =	sadd.s32 $0x29600, s7  }
.LBB2_1:
0x10: {  	[spmem:s11], [sflag:s6] =	dma.local [hbm:s5], $0x1400  }
0x11: {  	_ =	swait.ge [sflag:s12], $0x1400  }
0x12: {  	[sflag:s12] =	ssyncset.done $0x0  }
0x13: {  	[sflag:s12] =	ssyncadd.s32 $0xFFFFEC00  }
0x14: {  	s17 =	sadd.s32 $0x0, s10;
	[bflag:$0x0] =	sbarrier.arrive $0xFFFF  }
0x15: {  	[tilespmem:s4], [sflag:$0x2] =	stream.linear.gather [hbm4b:s17+s4], $0x50, $0x38;
	[tilespmem:$0xB4A0] =	vst v63  }
0x16: {  	_ =	swait.ge [sflag:s12], $0x50  }
0x17: {  	[sflag:s12] =	ssyncset.done $0x0  }
0x18: {  	s31 =	sadd.s32 $0x0, s9;
	[sflag:s12] =	ssyncadd.s32 $0xFFFFFFB0  }
0x19: {  	[tilespmem:s13], [sflag:$0x2] =	stream.linear.gather [hbm4b:s31+s4], $0x50, $0x38;
	[tilespmem:$0xB4A0] =	vst v63  }
0x1a: {  	_ =	swait.ge [sflag:s12], $0x50  }
0x1b: {  	[sflag:s12] =	ssyncset.done $0x0  }
0x1c: {  	[sflag:s12] =	ssyncadd.s32 $0xFFFFFFB0  }
0x1d: {  	[tilespmem:s14], [sflag:$0x1] =	stream.indirect.gather [hbm4b:s1+s13], $0x40, s4, s13, $0xb8;
	[tilespmem:$0xB4A0] =	vst v63  }
0x1e: {  	_ =	swait.ge [sflag:s15], $0x1400  }
0x1f: {  	[sflag:s15] =	ssyncset.done $0x0  }
0x20: {  	[sflag:s15] =	ssyncadd.s32 $0xFFFFEC00  }
0x21: {  	[spmem:s3] =	stream.indirect.scatter.add.f32 [tilespmem:s14], [sflag:$0x2], $0x40, s13, s13, $0xb8;
	[tilespmem:$0xB4A0] =	vst v63  }
0x22: {  	_ =	swait.ge [sflag:s12], $0x1400  }
0x23: {  	s18 =	simm.s32 $0x14;
	s17 =	simm.s32 $0xA;
	[sflag:s12] =	ssyncset.done $0x0  }
.LBB2_2:
0x24: {  	s19 =	sadd.s32 s17, s10  }
0x25: {  	[sflag:s12] =	ssyncadd.s32 $0xFFFFEC00;
	s20 =	smov.u32 s18;
	s21 =	sadd.s32 $0xA, s18  }
0x26: {  	[tilespmem:s4], [sflag:$0x2] =	stream.linear.gather [hbm4b:s19+s4], $0x50, $0x38;
	[tilespmem:$0xB4A0] =	vst v63  }
0x27: {  	p0 =	sne.s32 s18, $0x4D8;
	_ =	swait.ge [sflag:s12], $0x50  }
0x28: {  	[sflag:s12] =	ssyncset.done $0x0  }
0x29: {  	s18 =	sadd.s32 s17, s9;
	s17 =	smov.u32 s20;
	[sflag:s12] =	ssyncadd.s32 $0xFFFFFFB0  }
0x2a: {  	[tilespmem:s13], [sflag:$0x2] =	stream.linear.gather [hbm4b:s18+s4], $0x50, $0x38;
	[tilespmem:$0xB4A0] =	vst v63  }
0x2b: {  	_ =	swait.ge [sflag:s12], $0x50  }
0x2c: {  	[sflag:s12] =	ssyncset.done $0x0  }
0x2d: {  	[sflag:s12] =	ssyncadd.s32 $0xFFFFFFB0  }
0x2e: {  	[tilespmem:s14], [sflag:$0x1] =	stream.indirect.gather [hbm4b:s1+s13], $0x40, s4, s13, $0xb8;
	[tilespmem:$0xB4A0] =	vst v63  }
0x2f: {  	_ =	swait.ge [sflag:s15], $0x1400  }
.Ltmp0:
0x30: {  	[sflag:s15] =	ssyncset.done $0x0;
	(pc) =	sbr.rel @p0 .LBB2_2-.Ltmp0, $4  }
0x31: {  	[sflag:s15] =	ssyncadd.s32 $0xFFFFEC00  }
0x32: {  	[spmem:s3] =	stream.indirect.scatter.add.f32 [tilespmem:s14], [sflag:$0x2], $0x40, s13, s13, $0xb8;
	[tilespmem:$0xB4A0] =	vst v63  }
0x33: {  	_ =	swait.ge [sflag:s12], $0x1400  }
0x34: {  	s18 =	smov.u32 s21;
	[sflag:s12] =	ssyncset.done $0x0  }
0x35: {  	s18 =	sadd.s32 s17, s10;
	[sflag:s12] =	ssyncadd.s32 $0xFFFFEC00  }
0x36: {  	[tilespmem:s4], [sflag:$0x2] =	stream.linear.gather [hbm4b:s18+s4], $0x50, $0x38;
	[tilespmem:$0xB4A0] =	vst v63  }
0x37: {  	_ =	swait.ge [sflag:s12], $0x50  }
0x38: {  	[sflag:s12] =	ssyncset.done $0x0  }
0x39: {  	s31 =	sadd.s32 s17, s9;
	[sflag:s12] =	ssyncadd.s32 $0xFFFFFFB0  }
0x3a: {  	[tilespmem:s13], [sflag:$0x2] =	stream.linear.gather [hbm4b:s31+s4], $0x50, $0x38;
	[tilespmem:$0xB4A0] =	vst v63  }
0x3b: {  	_ =	swait.ge [sflag:s12], $0x50  }
0x3c: {  	[sflag:s12] =	ssyncset.done $0x0  }
0x3d: {  	[sflag:s12] =	ssyncadd.s32 $0xFFFFFFB0  }
0x3e: {  	[tilespmem:s14], [sflag:$0x1] =	stream.indirect.gather [hbm4b:s1+s13], $0x40, s4, s13, $0xb8;
	[tilespmem:$0xB4A0] =	vst v63  }
0x3f: {  	_ =	swait.ge [sflag:s15], $0x1400  }
0x40: {  	[sflag:s15] =	ssyncset.done $0x0  }
0x41: {  	[sflag:s15] =	ssyncadd.s32 $0xFFFFEC00  }
0x42: {  	[spmem:s3] =	stream.indirect.scatter.add.f32 [tilespmem:s14], [sflag:$0x2], $0x40, s13, s13, $0xb8;
	[tilespmem:$0xB4A0] =	vst v63  }
0x43: {  	_ =	swait.ge [sflag:s12], $0x1400  }
0x44: {  	s16 =	sadd.s32 $0x1, s16;
	[sflag:s12] =	ssyncset.done $0x0  }
0x45: {  	p0 =	sne.s32 s16, s8;
	[sflag:s12] =	ssyncadd.s32 $0xFFFFEC00  }
.Ltmp1:
0x46: {  	[bflag:$0x0] =	sbarrier.arrive $0xFFFF;
	(pc) =	sbr.rel @p0 .LBB2_1-.Ltmp1, $4  }
0x47: {  	[hbm:s7], [sflag:s6] =	dma.local [spmem:s11], $0x1400  }
0x48: {  	_ =	swait.ge [sflag:s12], $0x1400  }
0x49: {  	[sflag:s12] =	ssyncset.done $0x0  }
0x4a: {  	[sflag:s12] =	ssyncadd.s32 $0xFFFFEC00  }
0x4b: {  	_ =	sfence.sel $0x180000  }
0x4c: {  	[bflag:$0x0] =	sbarrier.arrive $0xFFFF  }
0x4d: {  	p0 =	sne.s32 s0, $0x0;
	_ =	strace $0x9000004D  }
0x4e: {  	s0 =	sadd.s32 @!p0 $0x100000, s2;
	[bflag:$0x2] =	sbarrier.arrive $0xFFFF  }
0x4f: {  	[sflag:s0] =	ssyncadd.tile.s32 @!p0 $0x1;
	_ =	shalt  }
.Lfunc_end2:
_tile_overlayer_lowered:
.L_overlay_start_2:
0x50: {  	(tag) =	ssettag $0x2  }
0x51: {  	s0 =	rddreg [dreg:$0x0];
	s2 =	stileid.u32  }
0x52: {  	s1 =	rddreg [dreg:$0x1];
	p0 =	sne.s32 s2, $0x0  }
0x53: {  	s3 =	rddreg [dreg:$0x2];
	[bflag:$0x3] =	sbarrier.arrive $0xFFFF;
	s2 =	simm.s32 @!p0 $0x1C02  }
0x54: {  	[timem:s3], [sflag:s2] =	dma.local @!p0 [hbm:s0], s1  }
0x55: {  	s0 =	simm.s32 @!p0 $0x2  }
0x56: {  	_ =	swait.ge @!p0 [sflag:s0], s1  }
0x57: {  	s1 =	ssub.s32 @!p0 $0x0, s1;
	[sflag:s0] =	ssyncset.done @!p0 $0x0  }
0x58: {  	[sflag:s0] =	ssyncadd.s32 @!p0 s1  }
0x59: {  	[bflag:$0x3] =	sbarrier.arrive $0xFFFF  }
0x5a: {  	_ =	shalt  }

// kernel: kernel.8.cloned.1.call-start
scs
__scs_entry_jumppad:
0x0: {  	(pc) =	sbr.rel $0x88, $3  }
0x1: {  	(tag) =	ssettag $0x0;
	lr =	simm.s32 $0x1  }
0x2: {  	[smem:$0x3F9B] =	sst lr;
	_ =	strace $0xD0000000  }
0x3: {  	_ = 	snop  }
0x4: {  	_ = 	snop  }
0x5: {  	_ = 	snop  }
0x6: {  	_ = 	snop  }
0x7: {  	_ = 	snop  }
__scs_overlays_trampoline_lowered:
0x8: {  	[smem:$0x3FAA] =	sst s0  }
0x9: {  	[smem:$0x3FAB] =	sst s1  }
0xa: {  	[smem:$0x3FAC] =	sst s2  }
0xb: {  	[smem:$0x3FAD] =	sst s3  }
0xc: {  	[smem:$0x3FAE] =	sst s4  }
0xd: {  	[smem:$0x3FAF] =	sst s5  }
0xe: {  	[smem:$0x3FB0] =	sst s6  }
0xf: {  	[smem:$0x3FB1] =	sst s7  }
0x10: {  	[smem:$0x3FB2] =	sst s8  }
0x11: {  	[smem:$0x3FB3] =	sst s9;
	s0 =	simm.s32 @!p0 $0x0  }
0x12: {  	s1 =	sld [smem:$0x3F99];
	s0 =	simm.s32 @p0 $0x1  }
0x13: {  	[smem:$0x3FB4] =	sst s0;
	s0 =	simm.s32 @!p1 $0x0  }
0x14: {  	s2 =	sld [smem:$0x3F98];
	s0 =	simm.s32 @p1 $0x1  }
0x15: {  	[smem:$0x3FB5] =	sst s0;
	s0 =	simm.s32 @!p2 $0x0  }
0x16: {  	s3 =	sld [smem:$0x3FDB];
	s0 =	simm.s32 @p2 $0x1  }
0x17: {  	s4 =	simm.s32 $0x1BF5;
	[smem:$0x3FB7] =	sst s0  }
0x18: {  	s0 =	sld [smem:$0x3F9A];
	_ =	swait.ge [sflag:s4], $0x0  }
0x19: {  	s7 =	sld [smem:$0x3F9B]  }
0x1a: {  	s8 =	sadd.s32 $0xFFFFE003, lr  }
0x1b: {  	s9 =	sadd.s32 $0xFFFFFEF7, lr;
	s5 =	simm.s32 $0xFFFFFFFF;
	p2 =	slt.u32 s8, $0xFFFFF086  }
0x1c: {  	p1 =	slt.u32 s9, $0xF7A;
	s5 =	simm.s32 @!p2 $0x0  }
0x1d: {  	s5 =	simm.s32 @p1 $0x1;
	p0 =	seq.s32 s7, s2  }
0x1e: {  	s7 =	smul.u32 @!p0 $0xF7A, s2;
	p2 =	seq.s32 @!p0 s5, $0x0  }
0x1f: {  	s9 =	smul.u32 $0xF7A, s1;
	s8 =	simm.s32 @!p0 $0x1BF5;
	p2 =	por !p2, p0  }
0x20: {  	[sflag:s8] =	ssyncset.s32 @!p0 $0xFFFFF086;
	s6 =	sadd.s32 @!p0 s3, s7;
	s7 =	simm.s32 @!p0 $0x108  }
0x21: {  	s3 =	sadd.s32 s3, s9;
	s6 =	sadd.s32 @!p0 $0x88, s6;
	s7 =	simm.s32 @p2 $0x1082  }
0x22: {  	[simem:s7], [sflag:s8] =	dma.local @!p0 [hbm:s6], $0xF7A  }
0x23: {  	s9 =	sor.u32 $0xD0000000, s2;
	s6 =	simm.s32 $0x108;
	_ =	swait.ge @!p0 [sflag:s8], $0x0  }
0x24: {  	s3 =	sadd.s32 $0x88, s3;
	s6 =	simm.s32 @!p1 $0x1082;
	[sflag:s4] =	ssyncset.s32 $0xFFFFF086  }
0x25: {  	[simem:s6], [sflag:s4] =	dma.local [hbm:s3], $0xF7A  }
0x26: {  	[smem:$0x3F9B] =	sst s1;
	(tag) =	ssettag s2;
	_ =	strace s9  }
0x27: {  	s1 =	sld [smem:$0x3FAB]  }
0x28: {  	s2 =	sld [smem:$0x3FAC]  }
0x29: {  	s4 =	sld [smem:$0x3FAE]  }
0x2a: {  	p0 =	seq.s32 s5, $0x0;
	s5 =	sld [smem:$0x3FAF]  }
0x2b: {  	s6 =	sld [smem:$0x3FB0]  }
0x2c: {  	s7 =	sld [smem:$0x3FB1]  }
0x2d: {  	s3 =	simm.s32 $0x108;
	s8 =	sld [smem:$0x3FB2]  }
0x2e: {  	s3 =	simm.s32 @!p0 $0x1082;
	s9 =	sld [smem:$0x3FB3]  }
0x2f: {  	lr =	sadd.s32 s0, s3;
	s0 =	sld [smem:$0x3FAA]  }
0x30: {  	s3 =	sld [smem:$0x3FAD]  }
0x31: {  	[smem:$0x3FB6] =	sst s10  }
0x32: {  	s10 =	sld [smem:$0x3FB4];
	_ =	sdelay $0x3  }
0x33: {  	p0 =	seq.s32 s10, $0x1;
	s10 =	sld [smem:$0x3FB6];
	_ =	sdelay $0x3  }
0x34: {  	[smem:$0x3FB6] =	sst s10  }
0x35: {  	s10 =	sld [smem:$0x3FB5];
	_ =	sdelay $0x3  }
0x36: {  	p1 =	seq.s32 s10, $0x1;
	s10 =	sld [smem:$0x3FB6];
	_ =	sdelay $0x3  }
0x37: {  	[smem:$0x3FB6] =	sst s10  }
0x38: {  	s10 =	sld [smem:$0x3FB7]  }
0x39: {  	_ = 	snop;
	(pc) =	sbr.ind lr, $3  }
0x3a: {  	_ = 	snop  }
0x3b: {  	_ = 	snop  }
0x3c: {  	p2 =	seq.s32 s10, $0x1;
	s10 =	sld [smem:$0x3FB6]  }
0x3d: {  	_ =	shalt  }
0x3e: {  	_ =	shalt  }
0x3f: {  	_ =	shalt  }
0x40: {  	_ =	shalt  }
0x41: {  	_ =	shalt  }
0x42: {  	_ =	shalt  }
0x43: {  	_ =	shalt  }
0x44: {  	_ =	shalt  }
0x45: {  	_ =	shalt  }
0x46: {  	_ =	shalt  }
0x47: {  	_ =	shalt  }
0x48: {  	_ =	shalt  }
0x49: {  	_ =	shalt  }
0x4a: {  	_ =	shalt  }
0x4b: {  	_ =	shalt  }
0x4c: {  	_ =	shalt  }
0x4d: {  	_ =	shalt  }
0x4e: {  	_ =	shalt  }
0x4f: {  	_ =	shalt  }
0x50: {  	_ =	shalt  }
0x51: {  	_ =	shalt  }
0x52: {  	_ =	shalt  }
0x53: {  	_ =	shalt  }
0x54: {  	_ =	shalt  }
0x55: {  	_ =	shalt  }
0x56: {  	_ =	shalt  }
0x57: {  	_ =	shalt  }
0x58: {  	_ =	shalt  }
0x59: {  	_ =	shalt  }
0x5a: {  	_ =	shalt  }
0x5b: {  	_ =	shalt  }
0x5c: {  	_ =	shalt  }
0x5d: {  	_ =	shalt  }
0x5e: {  	_ =	shalt  }
0x5f: {  	_ =	shalt  }
0x60: {  	_ =	shalt  }
0x61: {  	_ =	shalt  }
0x62: {  	_ =	shalt  }
0x63: {  	_ =	shalt  }
0x64: {  	_ =	shalt  }
0x65: {  	_ =	shalt  }
0x66: {  	_ =	shalt  }
0x67: {  	_ =	shalt  }
0x68: {  	_ =	shalt  }
0x69: {  	_ =	shalt  }
0x6a: {  	_ =	shalt  }
0x6b: {  	_ =	shalt  }
0x6c: {  	_ =	shalt  }
0x6d: {  	_ =	shalt  }
0x6e: {  	_ =	shalt  }
0x6f: {  	_ =	shalt  }
0x70: {  	_ =	shalt  }
0x71: {  	_ =	shalt  }
0x72: {  	_ =	shalt  }
0x73: {  	_ =	shalt  }
0x74: {  	_ =	shalt  }
0x75: {  	_ =	shalt  }
0x76: {  	_ =	shalt  }
0x77: {  	_ =	shalt  }
0x78: {  	_ =	shalt  }
0x79: {  	_ =	shalt  }
0x7a: {  	_ =	shalt  }
0x7b: {  	_ =	shalt  }
0x7c: {  	_ =	shalt  }
0x7d: {  	_ =	shalt  }
0x7e: {  	_ =	shalt  }
0x7f: {  	_ =	shalt  }
0x80: {  	_ =	shalt  }
0x81: {  	_ =	shalt  }
0x82: {  	_ =	shalt  }
0x83: {  	_ =	shalt  }
0x84: {  	_ =	shalt  }
0x85: {  	_ =	shalt  }
0x86: {  	_ =	shalt  }
0x87: {  	_ =	shalt  }
.Lfunc_end0:
.L_simem_size_0:
called_computation_lowered:
.L_overlay_start_0:
0x88: {  	s2 =	sld [smem:$0x3FD9]  }
0x89: {  	s3 =	sld [smem:$0x3FFE];
	_ =	sdelay $0x1  }
0x8a: {  	s1 =	srdreg.scid  }
0x8b: {  	s0 =	sand.u32 $0x1, s1  }
0x8c: {  	s17 =	sshll.u32 s0, $0xA;
	s2 =	sadd.s32 s3, s2  }
0x8d: {  	s2 =	sadd.s32 s2, s17  }
0x8e: {  	[smem:$0x3FC2] =	sst s2  }
0x8f: {  	_ = 	snop  }
0x90: {  	s2 =	sld [smem:$0x3FD0];
	(tm) =	ssettm $0x1  }
0x91: {  	s18 =	sld [smem:$0x3FFB];
	_ =	sdelay $0x3  }
0x92: {  	_ =	strace s18  }
0x93: {  	s3 =	sld [smem:$0x3FFC];
	_ =	sdelay $0x3  }
0x94: {  	_ =	strace s3  }
0x95: {  	s3 =	sld [smem:$0x3FFD];
	_ =	sdelay $0x3  }
0x96: {  	_ =	strace s3  }
0x97: {  	_ =	strace $0x8FFFFFFF  }
0x98: {  	s19 =	sld [smem:$0x3FDB];
	_ =	sdelay $0x1  }
0x99: {  	s4 =	simm.s32 $_scs_section_size  }
0x9a: {  	s5 =	simm.s32 $_size__tile_overlayer_lowered;
	s6 =	simm.s32 $_tile_overlayer_lowered  }
0x9b: {  	s22 =	simm.s32 $0x1BFF;
	s21 =	sshll.u32 s6, $0x1;
	s3 =	sadd.s32 s4, s19  }
0x9c: {  	s7 =	simm.s32 $0x0;
	s20 =	sshll.u32 s5, $0x1;
	s5 =	sadd.s32 s21, s3  }
0x9d: {  	[timem:s7], [sflag:s22] =	dma.local [hbm:s5], s20  }
0x9e: {  	_ =	swait.ge [sflag:s22], s20  }
0x9f: {  	s4 =	ssub.s32 $0x0, s20;
	[sflag:s22] =	ssyncset.done $0x0  }
0xa0: {  	[sflag:s22] =	ssyncadd.s32 s4;
	_ =	sdelay $0x1  }
0xa1: {  	s23 =	simm.s32 $0x1B8B  }
0xa2: {  	_ =	swait.ge [sflag:s23], $0x1  }
0xa3: {  	[sflag:s23] =	ssyncset.done $0x0  }
0xa4: {  	s25 =	simm.s32 $0x1B8E;
	s24 =	sld [smem:$0x3FFE];
	[sflag:s23] =	ssyncadd.s32 $0xFFFFFFFF  }
0xa5: {  	s26 =	simm.s32 $execute0_lowered;
	[smem:$0x3FD2] =	sst s25  }
0xa6: {  	s5 =	sshll.u32 s26, $0x1;
	_ =	strace $0x80000046;
	[dreg:$0x1] =	wrdreg $0xFFFFFFFF  }
0xa7: {  	s28 =	simm.s32 $_size_execute0_lowered;
	s3 =	sadd.s32 s3, s5;
	[dreg:$0x0] =	wrdreg $0x0  }
0xa8: {  	s5 =	sshll.u32 s28, $0x1;
	[dreg:$0x2] =	wrdreg s3  }
0xa9: {  	[dreg:$0x3] =	wrdreg s5  }
0xaa: {  	[dreg:$0x4] =	wrdreg $0xC0  }
0xab: {  	_ =	task [dreg:s7], $0x5FFFF  }
0xac: {  	[dreg:$0x1] =	wrdreg $0xFFFFFFFF  }
0xad: {  	[dreg:$0x0] =	wrdreg $0x60  }
0xae: {  	[dreg:$0x2] =	wrdreg s24  }
0xaf: {  	[dreg:$0x3] =	wrdreg s2  }
0xb0: {  	[dreg:$0x4] =	wrdreg $0x1000  }
0xb1: {  	[dreg:$0x5] =	wrdreg $0x9  }
0xb2: {  	_ =	task.clear_ibuf [dreg:s7], $0x6FFFF;
	_ =	strace $0x90000046  }
0xb3: {  	s29 =	simm.s32 $0x9;
	_ =	strace $0x80000048  }
0xb4: {  	_ =	swait.ge [sflag:s29], $0x1  }
0xb5: {  	[sflag:s29] =	ssyncadd.s32 $0xFFFFFFFF  }
0xb6: {  	_ =	strace $0x90000048  }
0xb7: {  	_ =	sfence  }
0xb8: {  	s30 =	sld [smem:$0x0];
	_ =	sdelay $0x2  }
0xb9: {  	s31 =	sshll.u32 s1, $0xD;
	s1 =	sshrl.u32 s1, $0x2  }
0xba: {  	s3 =	sand.u32 $0x4000, s31;
	s1 =	sadd.s32 s1, s30  }
0xbb: {  	s0 =	sor.u32 s3, s0;
	s1 =	sshll.u32 s1, $0x11  }
0xbc: {  	s0 =	sor.u32 s1, s0  }
0xbd: {  	s0 =	sadd.s32 $0x8F2B, s0  }
0xbe: {  	[sflag:s0] =	ssyncadd.remote.s32 $0x1  }
0xbf: {  	_ =	sfence.sel $0xFFFF  }
0xc0: {  	[dreg:$0x0] =	wrdreg $0xFFFFFFFF;
	(pc) =	sbr.abs _section_cstart, $3  }
0xc1: {  	[dreg:$0x1] =	wrdreg $0xFFFFFFFF  }
0xc2: {  	_ =	task.clear_ibuf [dreg:s7], $0x2FFFF;
	_ =	strace $0x9FFFFFFF  }
0xc3: {  	(tm) =	ssettm $0x7FFFFFFF  }
tec
execute0_lowered:
.L_overlay_start_1:
0x0: {  	(tag) =	ssettag $0x1  }
0x1: {  	s4 =	rddreg [dreg:$0x0]  }
0x2: {  	s6 =	rddreg [dreg:$0x1]  }
0x3: {  	s0 =	srdreg.scid;
	s2 =	rddreg [dreg:$0x2]  }
0x4: {  	s1 =	rddreg [dreg:$0x3];
	s5 =	sand.u32 $0x1, s0  }
0x5: {  	s3 =	simm.s32 $0x0;
	s0 =	stileid.u32;
	s7 =	smul.u32 $0x27100, s5  }
0x6: {  	s13 =	simm.s32 $0x20;
	s14 =	simm.s32 $0x10;
	s8 =	smul.u32 $0x2710, s0  }
0x7: {  	s15 =	simm.s32 $0x0;
	[smem:$0x7FF] =	sst s3;
	s26 =	smul.u32 $0x280, s0  }
0x8: {  	_ =	strace $0x80000047;
	s28 =	ssub.s32 $0x2, s5;
	s10 =	smul.u32 $0x500, s0  }
0x9: {  	s5 =	sshll.u32 s5, $0x7;
	s30 =	sshll.u32 s0, $0x6;
	s12 =	sshrl.u32 s28, $0x1  }
0xa: {  	s7 =	sadd.s32 s8, s7;
	s11 =	sshrl.u32 s26, $0x3;
	s5 =	sor.u32 s5, s10  }
0xb: {  	s29 =	sadd.s32 s26, s2;
	s10 =	simm.s32 $0x1;
	s7 =	sshrl.u32 s7, $0x3  }
0xc: {  	s31 =	sshrl.u32 s5, $0x3;
	s5 =	sor.u32 $0x1C01, s30;
	s9 =	sadd.s32 s7, s4  }
0xd: {  	s4 =	sadd.s32 s11, s4;
	s7 =	ssub.s32 s28, s12;
	s6 =	sadd.s32 s6, s31  }
0xe: {  	s11 =	simm.s32 $0x50;
	s12 =	simm.s32 $0x80;
	s4 =	sadd.s32 $0x15600, s4  }
0xf: {  	v0 =	vimm.f32 $1.000000000e+00;
	s7 =	smax.u32 s7, $0x1;
	s8 =	sadd.s32 $0xB800, s9;
	s9 =	sshrl.u32 s29, $0x3  }
.LBB2_1:
0x10: {  	[tilespmem:$0x80] =	vst v0  }
0x11: {  	[tilespmem:$0x90] =	vst v0  }
0x12: {  	[tilespmem:$0xA0] =	vst v0  }
0x13: {  	[tilespmem:$0xB0] =	vst v0  }
0x14: {  	[tilespmem:$0xC0] =	vst v0  }
0x15: {  	[spmem:s9], [sflag:s5] =	dma.local [hbm:s4], $0x50  }
0x16: {  	_ =	swait.ge [sflag:s10], $0x50  }
0x17: {  	[sflag:s10] =	ssyncset.done $0x0  }
0x18: {  	[sflag:s10] =	ssyncadd.s32 $0xFFFFFFB0  }
0x19: {  	s16 =	sadd.s32 $0x0, s8;
	[bflag:$0x0] =	sbarrier.arrive $0xFFFF  }
0x1a: {  	[tilespmem:s3], [sflag:$0x1] =	stream.linear.gather [hbm4b:s16+s3], $0x50, $0x38;
	[tilespmem:$0x380] =	vst v63  }
0x1b: {  	_ =	swait.ge [sflag:s10], $0x50  }
0x1c: {  	[sflag:s10] =	ssyncset.done $0x0  }
0x1d: {  	[sflag:s10] =	ssyncadd.s32 $0xFFFFFFB0  }
0x1e: {  	[spmem:s2] =	stream.indirect.scatter.add.f32 [tilespmem:s12], [sflag:$0x1], $0x1, s3, s11, $0xb8;
	[tilespmem:$0x380] =	vst v63  }
0x1f: {  	_ =	swait.ge [sflag:s10], $0x50  }
0x20: {  	s17 =	simm.s32 $0x14;
	s16 =	simm.s32 $0xA;
	[sflag:s10] =	ssyncset.done $0x0  }
.LBB2_2:
0x21: {  	s18 =	sadd.s32 s16, s8  }
0x22: {  	[sflag:s10] =	ssyncadd.s32 $0xFFFFFFB0;
	s16 =	smov.u32 s17;
	s19 =	sadd.s32 $0xA, s17  }
0x23: {  	[tilespmem:s3], [sflag:$0x1] =	stream.linear.gather [hbm4b:s18+s3], $0x50, $0x38;
	[tilespmem:$0x380] =	vst v63  }
0x24: {  	p0 =	sne.s32 s17, $0x4D8;
	_ =	swait.ge [sflag:s10], $0x50  }
.Ltmp0:
0x25: {  	[sflag:s10] =	ssyncset.done $0x0;
	(pc) =	sbr.rel @p0 .LBB2_2-.Ltmp0, $4  }
0x26: {  	[sflag:s10] =	ssyncadd.s32 $0xFFFFFFB0  }
0x27: {  	[spmem:s2] =	stream.indirect.scatter.add.f32 [tilespmem:s12], [sflag:$0x1], $0x1, s3, s11, $0xb8;
	[tilespmem:$0x380] =	vst v63  }
0x28: {  	_ =	swait.ge [sflag:s10], $0x50  }
0x29: {  	s17 =	smov.u32 s19;
	[sflag:s10] =	ssyncset.done $0x0  }
0x2a: {  	s16 =	sadd.s32 s16, s8;
	[sflag:s10] =	ssyncadd.s32 $0xFFFFFFB0  }
0x2b: {  	[tilespmem:s3], [sflag:$0x1] =	stream.linear.gather [hbm4b:s16+s3], $0x50, $0x38;
	[tilespmem:$0x380] =	vst v63  }
0x2c: {  	_ =	swait.ge [sflag:s10], $0x50  }
0x2d: {  	[sflag:s10] =	ssyncset.done $0x0  }
0x2e: {  	[sflag:s10] =	ssyncadd.s32 $0xFFFFFFB0  }
0x2f: {  	[spmem:s2] =	stream.indirect.scatter.add.f32 [tilespmem:s12], [sflag:$0x1], $0x1, s3, s11, $0xb8;
	[tilespmem:$0x380] =	vst v63  }
0x30: {  	_ =	swait.ge [sflag:s10], $0x50  }
0x31: {  	s15 =	sadd.s32 $0x1, s15;
	[sflag:s10] =	ssyncset.done $0x0  }
0x32: {  	p0 =	sne.s32 s15, s7;
	[sflag:s10] =	ssyncadd.s32 $0xFFFFFFB0  }
.Ltmp1:
0x33: {  	[bflag:$0x0] =	sbarrier.arrive $0xFFFF;
	(pc) =	sbr.rel @p0 .LBB2_1-.Ltmp1, $4  }
0x34: {  	[hbm:s6@s13], [sflag:s5] =	dma.strided [spmem:s9@s14], $0x50, s10, $0x10   }
0x35: {  	_ =	swait.ge [sflag:s10], $0x50  }
0x36: {  	[sflag:s10] =	ssyncset.done $0x0  }
0x37: {  	[sflag:s10] =	ssyncadd.s32 $0xFFFFFFB0  }
0x38: {  	_ =	sfence.sel $0x180000  }
0x39: {  	[bflag:$0x0] =	sbarrier.arrive $0xFFFF  }
0x3a: {  	p0 =	sne.s32 s0, $0x0;
	_ =	strace $0x90000047  }
0x3b: {  	s0 =	sadd.s32 @!p0 $0x100000, s1;
	[bflag:$0x2] =	sbarrier.arrive $0xFFFF  }
0x3c: {  	[sflag:s0] =	ssyncadd.tile.s32 @!p0 $0x1;
	_ =	shalt  }
.Lfunc_end2:
_tile_overlayer_lowered:
.L_overlay_start_2:
0x3d: {  	(tag) =	ssettag $0x2  }
0x3e: {  	s0 =	rddreg [dreg:$0x0];
	s2 =	stileid.u32  }
0x3f: {  	s1 =	rddreg [dreg:$0x1];
	p0 =	sne.s32 s2, $0x0  }
0x40: {  	s3 =	rddreg [dreg:$0x2];
	[bflag:$0x3] =	sbarrier.arrive $0xFFFF;
	s2 =	simm.s32 @!p0 $0x1C01  }
0x41: {  	[timem:s3], [sflag:s2] =	dma.local @!p0 [hbm:s0], s1  }
0x42: {  	s0 =	simm.s32 @!p0 $0x1  }
0x43: {  	_ =	swait.ge @!p0 [sflag:s0], s1  }
0x44: {  	s1 =	ssub.s32 @!p0 $0x0, s1;
	[sflag:s0] =	ssyncset.done @!p0 $0x0  }
0x45: {  	[sflag:s0] =	ssyncadd.s32 @!p0 s1  }
0x46: {  	[bflag:$0x3] =	sbarrier.arrive $0xFFFF  }
0x47: {  	_ =	shalt  }

</sc_bundles>
